<compile_context>
chip_gen: v7x
topology: tpu7x:2x2x1
jax: 0.10.2.dev20260603
libtpu: 0.0.44.dev20260713+nightly
codegen_flags: <defaults>
</compile_context>

<pallas_src>
import functools

import jax
import jax.numpy as jnp
from jax import lax
from jax.experimental import pallas as pl
from jax.experimental.pallas import tpu as pltpu
from jax.experimental.pallas import tpu_sc as plsc

_B = 16384
_D = 32
_NC = 2
_NS = 16
_NW = _NC * _NS
_BPW = _B // _NW


def _gather_kernel(uidx_hbm, iidx_hbm, utab_hbm, itab_hbm, ue_hbm, ie_hbm,
                   uix_v, iix_v, rows_v, sem):
    wid = lax.axis_index("s") * _NC + lax.axis_index("c")
    base = wid * _BPW
    pltpu.sync_copy(uidx_hbm.at[wid], uix_v)
    pltpu.sync_copy(iidx_hbm.at[wid], iix_v)

    def stage(idx_v, tab_hbm, out_hbm):
        def grp(g):
            vec = idx_v[pl.ds(g * 16, 16)] >> 2
            for k in range(16):
                r = vec[k]
                pltpu.async_copy(tab_hbm.at[pl.ds(r, 1)],
                                 rows_v.at[pl.ds(g * 16 + k, 1)], sem)
        pl.loop(0, _BPW // 16)(grp)
        pltpu.make_async_copy(tab_hbm.at[pl.ds(0, _BPW)], rows_v, sem).wait()
        pltpu.sync_copy(rows_v, out_hbm.at[pl.ds(base, _BPW)])

    stage(uix_v, utab_hbm, ue_hbm)
    stage(iix_v, itab_hbm, ie_hbm)


@jax.jit
def _gather(uidx, iidx, user_table4, item_table4):
    mesh = plsc.VectorSubcoreMesh(core_axis_name="c", subcore_axis_name="s")
    return pl.kernel(
        _gather_kernel,
        mesh=mesh,
        compiler_params=pltpu.CompilerParams(use_tc_tiling_on_sc=True),
        out_type=(
            jax.ShapeDtypeStruct((_B, 128), jnp.float32),
            jax.ShapeDtypeStruct((_B, 128), jnp.float32),
        ),
        scratch_types=[
            pltpu.VMEM((_BPW,), jnp.int32),
            pltpu.VMEM((_BPW,), jnp.int32),
            pltpu.VMEM((_BPW, 128), jnp.float32),
            pltpu.SemaphoreType.DMA,
        ],
    )(uidx, iidx, user_table4, item_table4)


_BLK = 2048


def _mlp_kernel(ue4_ref, ie4_ref, u_ref, i_ref, w1a_ref, w1b_ref, b1_ref,
                w2_ref, b2_ref, w3_ref, b3_ref, out_ref):
    def pick(rows4, idx):
        p = idx & 3
        x = rows4[:, 0:_D]
        for k in range(1, 4):
            x = jnp.where(p == k, rows4[:, k * _D:(k + 1) * _D], x)
        return x

    ue = pick(ue4_ref[...], u_ref[...])
    ie = pick(ie4_ref[...], i_ref[...])
    x = (jnp.dot(ue, w1a_ref[...], preferred_element_type=jnp.float32)
         + jnp.dot(ie, w1b_ref[...], preferred_element_type=jnp.float32)
         + b1_ref[...])
    h1 = jnp.maximum(x, 0.0)
    h2 = jnp.maximum(
        jnp.dot(h1, w2_ref[...], preferred_element_type=jnp.float32)
        + b2_ref[...], 0.0)
    logit = jnp.sum(h2 * w3_ref[...], axis=1) + b3_ref[0, 0]
    out_ref[...] = jax.nn.sigmoid(logit)


@jax.jit
def _mlp(ue4, ie4, users, items, w1a, w1b, b1, w2, b2, w3, b3):
    grid = (_B // _BLK,)
    full = lambda i: (0, 0)
    return pl.pallas_call(
        _mlp_kernel,
        grid=grid,
        in_specs=[
            pl.BlockSpec((_BLK, 128), lambda i: (i, 0)),
            pl.BlockSpec((_BLK, 128), lambda i: (i, 0)),
            pl.BlockSpec((_BLK, 1), lambda i: (i, 0)),
            pl.BlockSpec((_BLK, 1), lambda i: (i, 0)),
            pl.BlockSpec((_D, 128), full),
            pl.BlockSpec((_D, 128), full),
            pl.BlockSpec((1, 128), full),
            pl.BlockSpec((128, 64), full),
            pl.BlockSpec((1, 64), full),
            pl.BlockSpec((1, 64), full),
            pl.BlockSpec((1, 1), full),
        ],
        out_specs=pl.BlockSpec((_BLK,), lambda i: (i,)),
        out_shape=jax.ShapeDtypeStruct((_B,), jnp.float32),
    )(ue4, ie4, users, items, w1a, w1b, b1, w2, b2, w3, b3)


def kernel(users, items, user_table, item_table, W1, b1, W2, b2, W3, b3):
    uidx = users.reshape(_NW, _BPW)
    iidx = items.reshape(_NW, _BPW)
    ut4 = user_table.reshape(250000, 128)
    it4 = item_table.reshape(250000, 128)
    ue4, ie4 = _gather(uidx, iidx, ut4, it4)
    return _mlp(ue4, ie4, users.reshape(_B, 1), items.reshape(_B, 1),
                W1[:_D], W1[_D:], b1.reshape(1, 128),
                W2, b2.reshape(1, 64), W3.reshape(1, 64), b3.reshape(1, 1))

# --- scband reference (transcript-rebuilt; emitter-appended) ---
"""Pipeline reference for scband-dlrm-41326175322501 (READ-ONLY COPY).

The authoritative reference and input builder live on the scoring server;
editing this copy changes nothing except your own understanding.
"""

import jax, jax.numpy as jnp
import numpy as np

NUM_USERS = 1000000
NUM_ITEMS = 1000000
EMBED_DIM = 32
BATCH = 16384


def setup_inputs(seed: int = 0) -> dict:
    key = jax.random.key(seed)
    ks = jax.random.split(key, 12)
    users = jax.random.randint(ks[0], (BATCH,), 0, NUM_USERS, dtype=jnp.int64 if jax.config.jax_enable_x64 else jnp.int32).astype(jnp.int32)
    items = jax.random.randint(ks[1], (BATCH,), 0, NUM_ITEMS, dtype=jnp.int32)
    user_table = jax.random.normal(ks[2], (NUM_USERS, EMBED_DIM), dtype=jnp.float32) * 0.01
    user_table = user_table.at[0].set(0.0)  # padding_idx=0
    item_table = jax.random.normal(ks[3], (NUM_ITEMS, EMBED_DIM), dtype=jnp.float32) * 0.01
    item_table = item_table.at[0].set(0.0)  # padding_idx=0
    W1 = jax.random.normal(ks[4], (EMBED_DIM * 2, 128), dtype=jnp.float32) * 0.05
    b1 = jnp.zeros((128,), dtype=jnp.float32)
    W2 = jax.random.normal(ks[5], (128, 64), dtype=jnp.float32) * 0.05
    b2 = jnp.zeros((64,), dtype=jnp.float32)
    W3 = jax.random.normal(ks[6], (64, 1), dtype=jnp.float32) * 0.05
    b3 = jnp.zeros((1,), dtype=jnp.float32)
    return {
        "users": users,
        "items": items,
        "user_table": user_table,
        "item_table": item_table,
        "W1": W1, "b1": b1,
        "W2": W2, "b2": b2,
        "W3": W3, "b3": b3,
    }


def reference(users, items, user_table, item_table, W1, b1, W2, b2, W3, b3):
    # users = users.clamp(min=0, max=num_users - 1)
    users = jnp.clip(users, 0, NUM_USERS - 1)
    items = jnp.clip(items, 0, NUM_ITEMS - 1)
    # embedding lookups (gather)
    user_embed = jnp.take(user_table, users, axis=0)   # [B, D]
    item_embed = jnp.take(item_table, items, axis=0)   # [B, D]
    x = jnp.concatenate([user_embed, item_embed], axis=-1)  # [B, 2D]
    h = jax.nn.relu(jnp.dot(x, W1) + b1)
    h = jax.nn.relu(jnp.dot(h, W2) + b2)
    out = jax.nn.sigmoid(jnp.dot(h, W3) + b3)  # [B, 1]
    return jnp.squeeze(out, axis=1)  # [B]

if __name__ == "__main__":
    import jax
    _d = setup_inputs()
    print(jax.jit(kernel)(*tuple(_d.values())))

</pallas_src>

<mosaic_0001>
#map = affine_map<(d0, d1) -> (0, 0)>
module attributes {stable_mosaic.version = 14 : i64} {
  func.func @_gather_kernel(%arg0: i32, %arg1: i32, %arg2: memref<32x512xi32, #tpu.memory_space<hbm>>, %arg3: memref<32x512xi32, #tpu.memory_space<hbm>>, %arg4: memref<250000x128xf32, #tpu.memory_space<hbm>>, %arg5: memref<250000x128xf32, #tpu.memory_space<hbm>>, %arg6: memref<16384x128xf32, #tpu.memory_space<hbm>>, %arg7: memref<16384x128xf32, #tpu.memory_space<hbm>>, %arg8: memref<512xi32, #tpu.memory_space<vmem>>, %arg9: memref<512xi32, #tpu.memory_space<vmem>>, %arg10: memref<512x128xf32, #tpu.memory_space<vmem>>, %arg11: memref<!tpu.dma_semaphore, #tpu.memory_space<semaphore_mem>>) attributes {dimension_semantics = [#tpu.dimension_semantics<core_parallel>, #tpu.dimension_semantics<subcore_parallel>], iteration_bounds = array<i64: 2, 16>, scalar_prefetch = 0 : i64, scratch_operands = 4 : i64, tpu.core_type = #tpu.core_type<sc_vector_subcore>, window_params = [{transform_indices = #map}, {transform_indices = #map}, {transform_indices = #map}, {transform_indices = #map}, {transform_indices = #map}, {transform_indices = #map}]} {
    %mul3A = arith.constant 2 : i32
    %mul3A_0 = arith.muli %arg1, %mul3A : i32
    %add3A = arith.addi %mul3A_0, %arg0 : i32
    %mul3A_1 = arith.constant 512 : i32
    %mul3A_2 = arith.muli %add3A, %mul3A_1 : i32
    "tpu.region"() ({
      %run_scoped3A = tpu.sem_alloc : memref<!tpu.dma_semaphore, #tpu.memory_space<semaphore_mem>>
      %dma_start3A = arith.constant 0 : i32
      %dma_start3A_23 = tpu.memref_slice %arg2[%add3A, %dma_start3A] : memref<32x512xi32, #tpu.memory_space<hbm>> -> memref<1x512xi32, #tpu.memory_space<hbm>>
      %dma_start3A_24 = tpu.memref_squeeze %dma_start3A_23 : memref<1x512xi32, #tpu.memory_space<hbm>> -> memref<512xi32, #tpu.memory_space<hbm>>
      %dma_start3A_25 = arith.constant 0 : i32
      %dma_start3A_26 = tpu.memref_slice %arg2[%add3A, %dma_start3A_25] : memref<32x512xi32, #tpu.memory_space<hbm>> -> memref<1x512xi32, #tpu.memory_space<hbm>>
      %dma_start3A_27 = tpu.memref_squeeze %dma_start3A_26 : memref<1x512xi32, #tpu.memory_space<hbm>> -> memref<512xi32, #tpu.memory_space<hbm>>
      tpu.enqueue_dma source(%dma_start3A_27 : memref<512xi32, #tpu.memory_space<hbm>>) target(%arg8 : memref<512xi32, #tpu.memory_space<vmem>>) target_semaphore(%run_scoped3A : memref<!tpu.dma_semaphore, #tpu.memory_space<semaphore_mem>>)
      %dma_wait3A_28 = arith.constant 0 : i32
      %dma_wait3A_29 = tpu.memref_slice %arg2[%add3A, %dma_wait3A_28] : memref<32x512xi32, #tpu.memory_space<hbm>> -> memref<1x512xi32, #tpu.memory_space<hbm>>
      %dma_wait3A_30 = tpu.memref_squeeze %dma_wait3A_29 : memref<1x512xi32, #tpu.memory_space<hbm>> -> memref<512xi32, #tpu.memory_space<hbm>>
      %dma_wait3A_31 = arith.constant 0 : i32
      %dma_wait3A_32 = tpu.memref_slice %arg2[%add3A, %dma_wait3A_31] : memref<32x512xi32, #tpu.memory_space<hbm>> -> memref<1x512xi32, #tpu.memory_space<hbm>>
      %dma_wait3A_33 = tpu.memref_squeeze %dma_wait3A_32 : memref<1x512xi32, #tpu.memory_space<hbm>> -> memref<512xi32, #tpu.memory_space<hbm>>
      tpu.wait_dma2 semaphore(%run_scoped3A : memref<!tpu.dma_semaphore, #tpu.memory_space<semaphore_mem>>) src(%dma_wait3A_33 : memref<512xi32, #tpu.memory_space<hbm>>) dst(%arg8 : memref<512xi32, #tpu.memory_space<vmem>>)
      tpu.yield
    }) : () -> ()
    "tpu.region"() ({
      %run_scoped3A = tpu.sem_alloc : memref<!tpu.dma_semaphore, #tpu.memory_space<semaphore_mem>>
      %dma_start3A = arith.constant 0 : i32
      %dma_start3A_23 = tpu.memref_slice %arg3[%add3A, %dma_start3A] : memref<32x512xi32, #tpu.memory_space<hbm>> -> memref<1x512xi32, #tpu.memory_space<hbm>>
      %dma_start3A_24 = tpu.memref_squeeze %dma_start3A_23 : memref<1x512xi32, #tpu.memory_space<hbm>> -> memref<512xi32, #tpu.memory_space<hbm>>
      %dma_start3A_25 = arith.constant 0 : i32
      %dma_start3A_26 = tpu.memref_slice %arg3[%add3A, %dma_start3A_25] : memref<32x512xi32, #tpu.memory_space<hbm>> -> memref<1x512xi32, #tpu.memory_space<hbm>>
      %dma_start3A_27 = tpu.memref_squeeze %dma_start3A_26 : memref<1x512xi32, #tpu.memory_space<hbm>> -> memref<512xi32, #tpu.memory_space<hbm>>
      tpu.enqueue_dma source(%dma_start3A_27 : memref<512xi32, #tpu.memory_space<hbm>>) target(%arg9 : memref<512xi32, #tpu.memory_space<vmem>>) target_semaphore(%run_scoped3A : memref<!tpu.dma_semaphore, #tpu.memory_space<semaphore_mem>>)
      %dma_wait3A_28 = arith.constant 0 : i32
      %dma_wait3A_29 = tpu.memref_slice %arg3[%add3A, %dma_wait3A_28] : memref<32x512xi32, #tpu.memory_space<hbm>> -> memref<1x512xi32, #tpu.memory_space<hbm>>
      %dma_wait3A_30 = tpu.memref_squeeze %dma_wait3A_29 : memref<1x512xi32, #tpu.memory_space<hbm>> -> memref<512xi32, #tpu.memory_space<hbm>>
      %dma_wait3A_31 = arith.constant 0 : i32
      %dma_wait3A_32 = tpu.memref_slice %arg3[%add3A, %dma_wait3A_31] : memref<32x512xi32, #tpu.memory_space<hbm>> -> memref<1x512xi32, #tpu.memory_space<hbm>>
      %dma_wait3A_33 = tpu.memref_squeeze %dma_wait3A_32 : memref<1x512xi32, #tpu.memory_space<hbm>> -> memref<512xi32, #tpu.memory_space<hbm>>
      tpu.wait_dma2 semaphore(%run_scoped3A : memref<!tpu.dma_semaphore, #tpu.memory_space<semaphore_mem>>) src(%dma_wait3A_33 : memref<512xi32, #tpu.memory_space<hbm>>) dst(%arg9 : memref<512xi32, #tpu.memory_space<vmem>>)
      tpu.yield
    }) : () -> ()
    %scan3A = arith.constant 0 : i32
    %scan3A_3 = arith.constant 32 : i32
    %scan3A_4 = arith.addi %scan3A, %scan3A_3 : i32
    %scan3A_5 = arith.constant 1 : i32
    scf.for %scan3A_23 = %scan3A to %scan3A_4 step %scan3A_5  : i32 {
      %mul3A_24 = arith.constant 1 : i32
      %mul3A_25 = arith.muli %scan3A_23, %mul3A_24 : i32
      %add3A_26 = arith.constant 0 : i32
      %add3A_27 = arith.addi %add3A_26, %mul3A_25 : i32
      %mul3A_28 = arith.constant 16 : i32
      %mul3A_29 = arith.muli %add3A_27, %mul3A_28 : i32
      %get3A = arith.index_cast %mul3A_29 : i32 to index
      %get3A_30 = tpu.vector_load %arg8[%get3A] {strides = array<i32>} : memref<512xi32, #tpu.memory_space<vmem>>, vector<16xi32>,
      %get3A_31 = vector.shape_cast %get3A_30 : vector<16xi32> to vector<16xi32>
      %shift_right_arithmetic3A = arith.constant 2 : i32
      %shift_right_arithmetic3A_32 = vector.broadcast %shift_right_arithmetic3A : i32 to vector<16xi32>
      %shift_right_arithmetic3A_33 = arith.shrsi %get3A_31, %shift_right_arithmetic3A_32 : vector<16xi32>
      %slice3A = vector.extract_strided_slice %shift_right_arithmetic3A_33 {offsets = [0], sizes = [1], strides = [1]} : vector<16xi32> to vector<1xi32>
      %squeeze3A = vector.extract %slice3A[0] : i32 from vector<1xi32>
      %mul3A_34 = arith.constant 16 : i32
      %mul3A_35 = arith.muli %add3A_27, %mul3A_34 : i32
      %add3A_36 = arith.constant 0 : i32
      %add3A_37 = arith.addi %mul3A_35, %add3A_36 : i32
      %dma_start3A = arith.constant 0 : i32
      %dma_start3A_38 = tpu.memref_slice %arg10[%add3A_37, %dma_start3A] : memref<512x128xf32, #tpu.memory_space<vmem>> -> memref<1x128xf32, #tpu.memory_space<vmem>>
      %dma_start3A_39 = arith.constant 0 : i32
      %dma_start3A_40 = tpu.memref_slice %arg4[%squeeze3A, %dma_start3A_39] : memref<250000x128xf32, #tpu.memory_space<hbm>> -> memref<1x128xf32, #tpu.memory_space<hbm>>
      %dma_start3A_41 = arith.constant 0 : i32
      %dma_start3A_42 = tpu.memref_slice %arg10[%add3A_37, %dma_start3A_41] : memref<512x128xf32, #tpu.memory_space<vmem>> -> memref<1x128xf32, #tpu.memory_space<vmem>>
      %dma_start3A_43 = arith.constant 0 : i32
      %dma_start3A_44 = tpu.memref_slice %arg4[%squeeze3A, %dma_start3A_43] : memref<250000x128xf32, #tpu.memory_space<hbm>> -> memref<1x128xf32, #tpu.memory_space<hbm>>
      tpu.enqueue_dma source(%dma_start3A_44 : memref<1x128xf32, #tpu.memory_space<hbm>>) target(%dma_start3A_42 : memref<1x128xf32, #tpu.memory_space<vmem>>) target_semaphore(%arg11 : memref<!tpu.dma_semaphore, #tpu.memory_space<semaphore_mem>>)
      %slice3A_45 = vector.extract_strided_slice %shift_right_arithmetic3A_33 {offsets = [1], sizes = [1], strides = [1]} : vector<16xi32> to vector<1xi32>
      %squeeze3A_46 = vector.extract %slice3A_45[0] : i32 from vector<1xi32>
      %mul3A_47 = arith.constant 16 : i32
      %mul3A_48 = arith.muli %add3A_27, %mul3A_47 : i32
      %add3A_49 = arith.constant 1 : i32
      %add3A_50 = arith.addi %mul3A_48, %add3A_49 : i32
      %dma_start3A_51 = arith.constant 0 : i32
      %dma_start3A_52 = tpu.memref_slice %arg10[%add3A_50, %dma_start3A_51] : memref<512x128xf32, #tpu.memory_space<vmem>> -> memref<1x128xf32, #tpu.memory_space<vmem>>
      %dma_start3A_53 = arith.constant 0 : i32
      %dma_start3A_54 = tpu.memref_slice %arg4[%squeeze3A_46, %dma_start3A_53] : memref<250000x128xf32, #tpu.memory_space<hbm>> -> memref<1x128xf32, #tpu.memory_space<hbm>>
      %dma_start3A_55 = arith.constant 0 : i32
      %dma_start3A_56 = tpu.memref_slice %arg10[%add3A_50, %dma_start3A_55] : memref<512x128xf32, #tpu.memory_space<vmem>> -> memref<1x128xf32, #tpu.memory_space<vmem>>
      %dma_start3A_57 = arith.constant 0 : i32
      %dma_start3A_58 = tpu.memref_slice %arg4[%squeeze3A_46, %dma_start3A_57] : memref<250000x128xf32, #tpu.memory_space<hbm>> -> memref<1x128xf32, #tpu.memory_space<hbm>>
      tpu.enqueue_dma source(%dma_start3A_58 : memref<1x128xf32, #tpu.memory_space<hbm>>) target(%dma_start3A_56 : memref<1x128xf32, #tpu.memory_space<vmem>>) target_semaphore(%arg11 : memref<!tpu.dma_semaphore, #tpu.memory_space<semaphore_mem>>)
      %slice3A_59 = vector.extract_strided_slice %shift_right_arithmetic3A_33 {offsets = [2], sizes = [1], strides = [1]} : vector<16xi32> to vector<1xi32>
      %squeeze3A_60 = vector.extract %slice3A_59[0] : i32 from vector<1xi32>
      %mul3A_61 = arith.constant 16 : i32
      %mul3A_62 = arith.muli %add3A_27, %mul3A_61 : i32
      %add3A_63 = arith.constant 2 : i32
      %add3A_64 = arith.addi %mul3A_62, %add3A_63 : i32
      %dma_start3A_65 = arith.constant 0 : i32
      %dma_start3A_66 = tpu.memref_slice %arg10[%add3A_64, %dma_start3A_65] : memref<512x128xf32, #tpu.memory_space<vmem>> -> memref<1x128xf32, #tpu.memory_space<vmem>>
      %dma_start3A_67 = arith.constant 0 : i32
      %dma_start3A_68 = tpu.memref_slice %arg4[%squeeze3A_60, %dma_start3A_67] : memref<250000x128xf32, #tpu.memory_space<hbm>> -> memref<1x128xf32, #tpu.memory_space<hbm>>
      %dma_start3A_69 = arith.constant 0 : i32
      %dma_start3A_70 = tpu.memref_slice %arg10[%add3A_64, %dma_start3A_69] : memref<512x128xf32, #tpu.memory_space<vmem>> -> memref<1x128xf32, #tpu.memory_space<vmem>>
      %dma_start3A_71 = arith.constant 0 : i32
      %dma_start3A_72 = tpu.memref_slice %arg4[%squeeze3A_60, %dma_start3A_71] : memref<250000x128xf32, #tpu.memory_space<hbm>> -> memref<1x128xf32, #tpu.memory_space<hbm>>
      tpu.enqueue_dma source(%dma_start3A_72 : memref<1x128xf32, #tpu.memory_space<hbm>>) target(%dma_start3A_70 : memref<1x128xf32, #tpu.memory_space<vmem>>) target_semaphore(%arg11 : memref<!tpu.dma_semaphore, #tpu.memory_space<semaphore_mem>>)
      %slice3A_73 = vector.extract_strided_slice %shift_right_arithmetic3A_33 {offsets = [3], sizes = [1], strides = [1]} : vector<16xi32> to vector<1xi32>
      %squeeze3A_74 = vector.extract %slice3A_73[0] : i32 from vector<1xi32>
      %mul3A_75 = arith.constant 16 : i32
      %mul3A_76 = arith.muli %add3A_27, %mul3A_75 : i32
      %add3A_77 = arith.constant 3 : i32
      %add3A_78 = arith.addi %mul3A_76, %add3A_77 : i32
      %dma_start3A_79 = arith.constant 0 : i32
      %dma_start3A_80 = tpu.memref_slice %arg10[%add3A_78, %dma_start3A_79] : memref<512x128xf32, #tpu.memory_space<vmem>> -> memref<1x128xf32, #tpu.memory_space<vmem>>
      %dma_start3A_81 = arith.constant 0 : i32
      %dma_start3A_82 = tpu.memref_slice %arg4[%squeeze3A_74, %dma_start3A_81] : memref<250000x128xf32, #tpu.memory_space<hbm>> -> memref<1x128xf32, #tpu.memory_space<hbm>>
      %dma_start3A_83 = arith.constant 0 : i32
      %dma_start3A_84 = tpu.memref_slice %arg10[%add3A_78, %dma_start3A_83] : memref<512x128xf32, #tpu.memory_space<vmem>> -> memref<1x128xf32, #tpu.memory_space<vmem>>
      %dma_start3A_85 = arith.constant 0 : i32
      %dma_start3A_86 = tpu.memref_slice %arg4[%squeeze3A_74, %dma_start3A_85] : memref<250000x128xf32, #tpu.memory_space<hbm>> -> memref<1x128xf32, #tpu.memory_space<hbm>>
      tpu.enqueue_dma source(%dma_start3A_86 : memref<1x128xf32, #tpu.memory_space<hbm>>) target(%dma_start3A_84 : memref<1x128xf32, #tpu.memory_space<vmem>>) target_semaphore(%arg11 : memref<!tpu.dma_semaphore, #tpu.memory_space<semaphore_mem>>)
      %slice3A_87 = vector.extract_strided_slice %shift_right_arithmetic3A_33 {offsets = [4], sizes = [1], strides = [1]} : vector<16xi32> to vector<1xi32>
      %squeeze3A_88 = vector.extract %slice3A_87[0] : i32 from vector<1xi32>
      %mul3A_89 = arith.constant 16 : i32
      %mul3A_90 = arith.muli %add3A_27, %mul3A_89 : i32
      %add3A_91 = arith.constant 4 : i32
      %add3A_92 = arith.addi %mul3A_90, %add3A_91 : i32
      %dma_start3A_93 = arith.constant 0 : i32
      %dma_start3A_94 = tpu.memref_slice %arg10[%add3A_92, %dma_start3A_93] : memref<512x128xf32, #tpu.memory_space<vmem>> -> memref<1x128xf32, #tpu.memory_space<vmem>>
      %dma_start3A_95 = arith.constant 0 : i32
      %dma_start3A_96 = tpu.memref_slice %arg4[%squeeze3A_88, %dma_start3A_95] : memref<250000x128xf32, #tpu.memory_space<hbm>> -> memref<1x128xf32, #tpu.memory_space<hbm>>
      %dma_start3A_97 = arith.constant 0 : i32
      %dma_start3A_98 = tpu.memref_slice %arg10[%add3A_92, %dma_start3A_97] : memref<512x128xf32, #tpu.memory_space<vmem>> -> memref<1x128xf32, #tpu.memory_space<vmem>>
      %dma_start3A_99 = arith.constant 0 : i32
      %dma_start3A_100 = tpu.memref_slice %arg4[%squeeze3A_88, %dma_start3A_99] : memref<250000x128xf32, #tpu.memory_space<hbm>> -> memref<1x128xf32, #tpu.memory_space<hbm>>
      tpu.enqueue_dma source(%dma_start3A_100 : memref<1x128xf32, #tpu.memory_space<hbm>>) target(%dma_start3A_98 : memref<1x128xf32, #tpu.memory_space<vmem>>) target_semaphore(%arg11 : memref<!tpu.dma_semaphore, #tpu.memory_space<semaphore_mem>>)
      %slice3A_101 = vector.extract_strided_slice %shift_right_arithmetic3A_33 {offsets = [5], sizes = [1], strides = [1]} : vector<16xi32> to vector<1xi32>
      %squeeze3A_102 = vector.extract %slice3A_101[0] : i32 from vector<1xi32>
      %mul3A_103 = arith.constant 16 : i32
      %mul3A_104 = arith.muli %add3A_27, %mul3A_103 : i32
      %add3A_105 = arith.constant 5 : i32
      %add3A_106 = arith.addi %mul3A_104, %add3A_105 : i32
      %dma_start3A_107 = arith.constant 0 : i32
      %dma_start3A_108 = tpu.memref_slice %arg10[%add3A_106, %dma_start3A_107] : memref<512x128xf32, #tpu.memory_space<vmem>> -> memref<1x128xf32, #tpu.memory_space<vmem>>
      %dma_start3A_109 = arith.constant 0 : i32
      %dma_start3A_110 = tpu.memref_slice %arg4[%squeeze3A_102, %dma_start3A_109] : memref<250000x128xf32, #tpu.memory_space<hbm>> -> memref<1x128xf32, #tpu.memory_space<hbm>>
      %dma_start3A_111 = arith.constant 0 : i32
      %dma_start3A_112 = tpu.memref_slice %arg10[%add3A_106, %dma_start3A_111] : memref<512x128xf32, #tpu.memory_space<vmem>> -> memref<1x128xf32, #tpu.memory_space<vmem>>
      %dma_start3A_113 = arith.constant 0 : i32
      %dma_start3A_114 = tpu.memref_slice %arg4[%squeeze3A_102, %dma_start3A_113] : memref<250000x128xf32, #tpu.memory_space<hbm>> -> memref<1x128xf32, #tpu.memory_space<hbm>>
      tpu.enqueue_dma source(%dma_start3A_114 : memref<1x128xf32, #tpu.memory_space<hbm>>) target(%dma_start3A_112 : memref<1x128xf32, #tpu.memory_space<vmem>>) target_semaphore(%arg11 : memref<!tpu.dma_semaphore, #tpu.memory_space<semaphore_mem>>)
      %slice3A_115 = vector.extract_strided_slice %shift_right_arithmetic3A_33 {offsets = [6], sizes = [1], strides = [1]} : vector<16xi32> to vector<1xi32>
      %squeeze3A_116 = vector.extract %slice3A_115[0] : i32 from vector<1xi32>
      %mul3A_117 = arith.constant 16 : i32
      %mul3A_118 = arith.muli %add3A_27, %mul3A_117 : i32
      %add3A_119 = arith.constant 6 : i32
      %add3A_120 = arith.addi %mul3A_118, %add3A_119 : i32
      %dma_start3A_121 = arith.constant 0 : i32
      %dma_start3A_122 = tpu.memref_slice %arg10[%add3A_120, %dma_start3A_121] : memref<512x128xf32, #tpu.memory_space<vmem>> -> memref<1x128xf32, #tpu.memory_space<vmem>>
      %dma_start3A_123 = arith.constant 0 : i32
      %dma_start3A_124 = tpu.memref_slice %arg4[%squeeze3A_116, %dma_start3A_123] : memref<250000x128xf32, #tpu.memory_space<hbm>> -> memref<1x128xf32, #tpu.memory_space<hbm>>
      %dma_start3A_125 = arith.constant 0 : i32
      %dma_start3A_126 = tpu.memref_slice %arg10[%add3A_120, %dma_start3A_125] : memref<512x128xf32, #tpu.memory_space<vmem>> -> memref<1x128xf32, #tpu.memory_space<vmem>>
      %dma_start3A_127 = arith.constant 0 : i32
      %dma_start3A_128 = tpu.memref_slice %arg4[%squeeze3A_116, %dma_start3A_127] : memref<250000x128xf32, #tpu.memory_space<hbm>> -> memref<1x128xf32, #tpu.memory_space<hbm>>
      tpu.enqueue_dma source(%dma_start3A_128 : memref<1x128xf32, #tpu.memory_space<hbm>>) target(%dma_start3A_126 : memref<1x128xf32, #tpu.memory_space<vmem>>) target_semaphore(%arg11 : memref<!tpu.dma_semaphore, #tpu.memory_space<semaphore_mem>>)
      %slice3A_129 = vector.extract_strided_slice %shift_right_arithmetic3A_33 {offsets = [7], sizes = [1], strides = [1]} : vector<16xi32> to vector<1xi32>
      %squeeze3A_130 = vector.extract %slice3A_129[0] : i32 from vector<1xi32>
      %mul3A_131 = arith.constant 16 : i32
      %mul3A_132 = arith.muli %add3A_27, %mul3A_131 : i32
      %add3A_133 = arith.constant 7 : i32
      %add3A_134 = arith.addi %mul3A_132, %add3A_133 : i32
      %dma_start3A_135 = arith.constant 0 : i32
      %dma_start3A_136 = tpu.memref_slice %arg10[%add3A_134, %dma_start3A_135] : memref<512x128xf32, #tpu.memory_space<vmem>> -> memref<1x128xf32, #tpu.memory_space<vmem>>
      %dma_start3A_137 = arith.constant 0 : i32
      %dma_start3A_138 = tpu.memref_slice %arg4[%squeeze3A_130, %dma_start3A_137] : memref<250000x128xf32, #tpu.memory_space<hbm>> -> memref<1x128xf32, #tpu.memory_space<hbm>>
      %dma_start3A_139 = arith.constant 0 : i32
      %dma_start3A_140 = tpu.memref_slice %arg10[%add3A_134, %dma_start3A_139] : memref<512x128xf32, #tpu.memory_space<vmem>> -> memref<1x128xf32, #tpu.memory_space<vmem>>
      %dma_start3A_141 = arith.constant 0 : i32
      %dma_start3A_142 = tpu.memref_slice %arg4[%squeeze3A_130, %dma_start3A_141] : memref<250000x128xf32, #tpu.memory_space<hbm>> -> memref<1x128xf32, #tpu.memory_space<hbm>>
      tpu.enqueue_dma source(%dma_start3A_142 : memref<1x128xf32, #tpu.memory_space<hbm>>) target(%dma_start3A_140 : memref<1x128xf32, #tpu.memory_space<vmem>>) target_semaphore(%arg11 : memref<!tpu.dma_semaphore, #tpu.memory_space<semaphore_mem>>)
      %slice3A_143 = vector.extract_strided_slice %shift_right_arithmetic3A_33 {offsets = [8], sizes = [1], strides = [1]} : vector<16xi32> to vector<1xi32>
      %squeeze3A_144 = vector.extract %slice3A_143[0] : i32 from vector<1xi32>
      %mul3A_145 = arith.constant 16 : i32
      %mul3A_146 = arith.muli %add3A_27, %mul3A_145 : i32
      %add3A_147 = arith.constant 8 : i32
      %add3A_148 = arith.addi %mul3A_146, %add3A_147 : i32
      %dma_start3A_149 = arith.constant 0 : i32
      %dma_start3A_150 = tpu.memref_slice %arg10[%add3A_148, %dma_start3A_149] : memref<512x128xf32, #tpu.memory_space<vmem>> -> memref<1x128xf32, #tpu.memory_space<vmem>>
      %dma_start3A_151 = arith.constant 0 : i32
      %dma_start3A_152 = tpu.memref_slice %arg4[%squeeze3A_144, %dma_start3A_151] : memref<250000x128xf32, #tpu.memory_space<hbm>> -> memref<1x128xf32, #tpu.memory_space<hbm>>
      %dma_start3A_153 = arith.constant 0 : i32
      %dma_start3A_154 = tpu.memref_slice %arg10[%add3A_148, %dma_start3A_153] : memref<512x128xf32, #tpu.memory_space<vmem>> -> memref<1x128xf32, #tpu.memory_space<vmem>>
      %dma_start3A_155 = arith.constant 0 : i32
      %dma_start3A_156 = tpu.memref_slice %arg4[%squeeze3A_144, %dma_start3A_155] : memref<250000x128xf32, #tpu.memory_space<hbm>> -> memref<1x128xf32, #tpu.memory_space<hbm>>
      tpu.enqueue_dma source(%dma_start3A_156 : memref<1x128xf32, #tpu.memory_space<hbm>>) target(%dma_start3A_154 : memref<1x128xf32, #tpu.memory_space<vmem>>) target_semaphore(%arg11 : memref<!tpu.dma_semaphore, #tpu.memory_space<semaphore_mem>>)
      %slice3A_157 = vector.extract_strided_slice %shift_right_arithmetic3A_33 {offsets = [9], sizes = [1], strides = [1]} : vector<16xi32> to vector<1xi32>
      %squeeze3A_158 = vector.extract %slice3A_157[0] : i32 from vector<1xi32>
      %mul3A_159 = arith.constant 16 : i32
      %mul3A_160 = arith.muli %add3A_27, %mul3A_159 : i32
      %add3A_161 = arith.constant 9 : i32
      %add3A_162 = arith.addi %mul3A_160, %add3A_161 : i32
      %dma_start3A_163 = arith.constant 0 : i32
      %dma_start3A_164 = tpu.memref_slice %arg10[%add3A_162, %dma_start3A_163] : memref<512x128xf32, #tpu.memory_space<vmem>> -> memref<1x128xf32, #tpu.memory_space<vmem>>
      %dma_start3A_165 = arith.constant 0 : i32
      %dma_start3A_166 = tpu.memref_slice %arg4[%squeeze3A_158, %dma_start3A_165] : memref<250000x128xf32, #tpu.memory_space<hbm>> -> memref<1x128xf32, #tpu.memory_space<hbm>>
      %dma_start3A_167 = arith.constant 0 : i32
      %dma_start3A_168 = tpu.memref_slice %arg10[%add3A_162, %dma_start3A_167] : memref<512x128xf32, #tpu.memory_space<vmem>> -> memref<1x128xf32, #tpu.memory_space<vmem>>
      %dma_start3A_169 = arith.constant 0 : i32
      %dma_start3A_170 = tpu.memref_slice %arg4[%squeeze3A_158, %dma_start3A_169] : memref<250000x128xf32, #tpu.memory_space<hbm>> -> memref<1x128xf32, #tpu.memory_space<hbm>>
      tpu.enqueue_dma source(%dma_start3A_170 : memref<1x128xf32, #tpu.memory_space<hbm>>) target(%dma_start3A_168 : memref<1x128xf32, #tpu.memory_space<vmem>>) target_semaphore(%arg11 : memref<!tpu.dma_semaphore, #tpu.memory_space<semaphore_mem>>)
      %slice3A_171 = vector.extract_strided_slice %shift_right_arithmetic3A_33 {offsets = [10], sizes = [1], strides = [1]} : vector<16xi32> to vector<1xi32>
      %squeeze3A_172 = vector.extract %slice3A_171[0] : i32 from vector<1xi32>
      %mul3A_173 = arith.constant 16 : i32
      %mul3A_174 = arith.muli %add3A_27, %mul3A_173 : i32
      %add3A_175 = arith.constant 10 : i32
      %add3A_176 = arith.addi %mul3A_174, %add3A_175 : i32
      %dma_start3A_177 = arith.constant 0 : i32
      %dma_start3A_178 = tpu.memref_slice %arg10[%add3A_176, %dma_start3A_177] : memref<512x128xf32, #tpu.memory_space<vmem>> -> memref<1x128xf32, #tpu.memory_space<vmem>>
      %dma_start3A_179 = arith.constant 0 : i32
      %dma_start3A_180 = tpu.memref_slice %arg4[%squeeze3A_172, %dma_start3A_179] : memref<250000x128xf32, #tpu.memory_space<hbm>> -> memref<1x128xf32, #tpu.memory_space<hbm>>
      %dma_start3A_181 = arith.constant 0 : i32
      %dma_start3A_182 = tpu.memref_slice %arg10[%add3A_176, %dma_start3A_181] : memref<512x128xf32, #tpu.memory_space<vmem>> -> memref<1x128xf32, #tpu.memory_space<vmem>>
      %dma_start3A_183 = arith.constant 0 : i32
      %dma_start3A_184 = tpu.memref_slice %arg4[%squeeze3A_172, %dma_start3A_183] : memref<250000x128xf32, #tpu.memory_space<hbm>> -> memref<1x128xf32, #tpu.memory_space<hbm>>
      tpu.enqueue_dma source(%dma_start3A_184 : memref<1x128xf32, #tpu.memory_space<hbm>>) target(%dma_start3A_182 : memref<1x128xf32, #tpu.memory_space<vmem>>) target_semaphore(%arg11 : memref<!tpu.dma_semaphore, #tpu.memory_space<semaphore_mem>>)
      %slice3A_185 = vector.extract_strided_slice %shift_right_arithmetic3A_33 {offsets = [11], sizes = [1], strides = [1]} : vector<16xi32> to vector<1xi32>
      %squeeze3A_186 = vector.extract %slice3A_185[0] : i32 from vector<1xi32>
      %mul3A_187 = arith.constant 16 : i32
      %mul3A_188 = arith.muli %add3A_27, %mul3A_187 : i32
      %add3A_189 = arith.constant 11 : i32
      %add3A_190 = arith.addi %mul3A_188, %add3A_189 : i32
      %dma_start3A_191 = arith.constant 0 : i32
      %dma_start3A_192 = tpu.memref_slice %arg10[%add3A_190, %dma_start3A_191] : memref<512x128xf32, #tpu.memory_space<vmem>> -> memref<1x128xf32, #tpu.memory_space<vmem>>
      %dma_start3A_193 = arith.constant 0 : i32
      %dma_start3A_194 = tpu.memref_slice %arg4[%squeeze3A_186, %dma_start3A_193] : memref<250000x128xf32, #tpu.memory_space<hbm>> -> memref<1x128xf32, #tpu.memory_space<hbm>>
      %dma_start3A_195 = arith.constant 0 : i32
      %dma_start3A_196 = tpu.memref_slice %arg10[%add3A_190, %dma_start3A_195] : memref<512x128xf32, #tpu.memory_space<vmem>> -> memref<1x128xf32, #tpu.memory_space<vmem>>
      %dma_start3A_197 = arith.constant 0 : i32
      %dma_start3A_198 = tpu.memref_slice %arg4[%squeeze3A_186, %dma_start3A_197] : memref<250000x128xf32, #tpu.memory_space<hbm>> -> memref<1x128xf32, #tpu.memory_space<hbm>>
      tpu.enqueue_dma source(%dma_start3A_198 : memref<1x128xf32, #tpu.memory_space<hbm>>) target(%dma_start3A_196 : memref<1x128xf32, #tpu.memory_space<vmem>>) target_semaphore(%arg11 : memref<!tpu.dma_semaphore, #tpu.memory_space<semaphore_mem>>)
      %slice3A_199 = vector.extract_strided_slice %shift_right_arithmetic3A_33 {offsets = [12], sizes = [1], strides = [1]} : vector<16xi32> to vector<1xi32>
      %squeeze3A_200 = vector.extract %slice3A_199[0] : i32 from vector<1xi32>
      %mul3A_201 = arith.constant 16 : i32
      %mul3A_202 = arith.muli %add3A_27, %mul3A_201 : i32
      %add3A_203 = arith.constant 12 : i32
      %add3A_204 = arith.addi %mul3A_202, %add3A_203 : i32
      %dma_start3A_205 = arith.constant 0 : i32
      %dma_start3A_206 = tpu.memref_slice %arg10[%add3A_204, %dma_start3A_205] : memref<512x128xf32, #tpu.memory_space<vmem>> -> memref<1x128xf32, #tpu.memory_space<vmem>>
      %dma_start3A_207 = arith.constant 0 : i32
      %dma_start3A_208 = tpu.memref_slice %arg4[%squeeze3A_200, %dma_start3A_207] : memref<250000x128xf32, #tpu.memory_space<hbm>> -> memref<1x128xf32, #tpu.memory_space<hbm>>
      %dma_start3A_209 = arith.constant 0 : i32
      %dma_start3A_210 = tpu.memref_slice %arg10[%add3A_204, %dma_start3A_209] : memref<512x128xf32, #tpu.memory_space<vmem>> -> memref<1x128xf32, #tpu.memory_space<vmem>>
      %dma_start3A_211 = arith.constant 0 : i32
      %dma_start3A_212 = tpu.memref_slice %arg4[%squeeze3A_200, %dma_start3A_211] : memref<250000x128xf32, #tpu.memory_space<hbm>> -> memref<1x128xf32, #tpu.memory_space<hbm>>
      tpu.enqueue_dma source(%dma_start3A_212 : memref<1x128xf32, #tpu.memory_space<hbm>>) target(%dma_start3A_210 : memref<1x128xf32, #tpu.memory_space<vmem>>) target_semaphore(%arg11 : memref<!tpu.dma_semaphore, #tpu.memory_space<semaphore_mem>>)
      %slice3A_213 = vector.extract_strided_slice %shift_right_arithmetic3A_33 {offsets = [13], sizes = [1], strides = [1]} : vector<16xi32> to vector<1xi32>
      %squeeze3A_214 = vector.extract %slice3A_213[0] : i32 from vector<1xi32>
      %mul3A_215 = arith.constant 16 : i32
      %mul3A_216 = arith.muli %add3A_27, %mul3A_215 : i32
      %add3A_217 = arith.constant 13 : i32
      %add3A_218 = arith.addi %mul3A_216, %add3A_217 : i32
      %dma_start3A_219 = arith.constant 0 : i32
      %dma_start3A_220 = tpu.memref_slice %arg10[%add3A_218, %dma_start3A_219] : memref<512x128xf32, #tpu.memory_space<vmem>> -> memref<1x128xf32, #tpu.memory_space<vmem>>
      %dma_start3A_221 = arith.constant 0 : i32
      %dma_start3A_222 = tpu.memref_slice %arg4[%squeeze3A_214, %dma_start3A_221] : memref<250000x128xf32, #tpu.memory_space<hbm>> -> memref<1x128xf32, #tpu.memory_space<hbm>>
      %dma_start3A_223 = arith.constant 0 : i32
      %dma_start3A_224 = tpu.memref_slice %arg10[%add3A_218, %dma_start3A_223] : memref<512x128xf32, #tpu.memory_space<vmem>> -> memref<1x128xf32, #tpu.memory_space<vmem>>
      %dma_start3A_225 = arith.constant 0 : i32
      %dma_start3A_226 = tpu.memref_slice %arg4[%squeeze3A_214, %dma_start3A_225] : memref<250000x128xf32, #tpu.memory_space<hbm>> -> memref<1x128xf32, #tpu.memory_space<hbm>>
      tpu.enqueue_dma source(%dma_start3A_226 : memref<1x128xf32, #tpu.memory_space<hbm>>) target(%dma_start3A_224 : memref<1x128xf32, #tpu.memory_space<vmem>>) target_semaphore(%arg11 : memref<!tpu.dma_semaphore, #tpu.memory_space<semaphore_mem>>)
      %slice3A_227 = vector.extract_strided_slice %shift_right_arithmetic3A_33 {offsets = [14], sizes = [1], strides = [1]} : vector<16xi32> to vector<1xi32>
      %squeeze3A_228 = vector.extract %slice3A_227[0] : i32 from vector<1xi32>
      %mul3A_229 = arith.constant 16 : i32
      %mul3A_230 = arith.muli %add3A_27, %mul3A_229 : i32
      %add3A_231 = arith.constant 14 : i32
      %add3A_232 = arith.addi %mul3A_230, %add3A_231 : i32
      %dma_start3A_233 = arith.constant 0 : i32
      %dma_start3A_234 = tpu.memref_slice %arg10[%add3A_232, %dma_start3A_233] : memref<512x128xf32, #tpu.memory_space<vmem>> -> memref<1x128xf32, #tpu.memory_space<vmem>>
      %dma_start3A_235 = arith.constant 0 : i32
      %dma_start3A_236 = tpu.memref_slice %arg4[%squeeze3A_228, %dma_start3A_235] : memref<250000x128xf32, #tpu.memory_space<hbm>> -> memref<1x128xf32, #tpu.memory_space<hbm>>
      %dma_start3A_237 = arith.constant 0 : i32
      %dma_start3A_238 = tpu.memref_slice %arg10[%add3A_232, %dma_start3A_237] : memref<512x128xf32, #tpu.memory_space<vmem>> -> memref<1x128xf32, #tpu.memory_space<vmem>>
      %dma_start3A_239 = arith.constant 0 : i32
      %dma_start3A_240 = tpu.memref_slice %arg4[%squeeze3A_228, %dma_start3A_239] : memref<250000x128xf32, #tpu.memory_space<hbm>> -> memref<1x128xf32, #tpu.memory_space<hbm>>
      tpu.enqueue_dma source(%dma_start3A_240 : memref<1x128xf32, #tpu.memory_space<hbm>>) target(%dma_start3A_238 : memref<1x128xf32, #tpu.memory_space<vmem>>) target_semaphore(%arg11 : memref<!tpu.dma_semaphore, #tpu.memory_space<semaphore_mem>>)
      %slice3A_241 = vector.extract_strided_slice %shift_right_arithmetic3A_33 {offsets = [15], sizes = [1], strides = [1]} : vector<16xi32> to vector<1xi32>
      %squeeze3A_242 = vector.extract %slice3A_241[0] : i32 from vector<1xi32>
      %mul3A_243 = arith.constant 16 : i32
      %mul3A_244 = arith.muli %add3A_27, %mul3A_243 : i32
      %add3A_245 = arith.constant 15 : i32
      %add3A_246 = arith.addi %mul3A_244, %add3A_245 : i32
      %dma_start3A_247 = arith.constant 0 : i32
      %dma_start3A_248 = tpu.memref_slice %arg10[%add3A_246, %dma_start3A_247] : memref<512x128xf32, #tpu.memory_space<vmem>> -> memref<1x128xf32, #tpu.memory_space<vmem>>
      %dma_start3A_249 = arith.constant 0 : i32
      %dma_start3A_250 = tpu.memref_slice %arg4[%squeeze3A_242, %dma_start3A_249] : memref<250000x128xf32, #tpu.memory_space<hbm>> -> memref<1x128xf32, #tpu.memory_space<hbm>>
      %dma_start3A_251 = arith.constant 0 : i32
      %dma_start3A_252 = tpu.memref_slice %arg10[%add3A_246, %dma_start3A_251] : memref<512x128xf32, #tpu.memory_space<vmem>> -> memref<1x128xf32, #tpu.memory_space<vmem>>
      %dma_start3A_253 = arith.constant 0 : i32
      %dma_start3A_254 = tpu.memref_slice %arg4[%squeeze3A_242, %dma_start3A_253] : memref<250000x128xf32, #tpu.memory_space<hbm>> -> memref<1x128xf32, #tpu.memory_space<hbm>>
      tpu.enqueue_dma source(%dma_start3A_254 : memref<1x128xf32, #tpu.memory_space<hbm>>) target(%dma_start3A_252 : memref<1x128xf32, #tpu.memory_space<vmem>>) target_semaphore(%arg11 : memref<!tpu.dma_semaphore, #tpu.memory_space<semaphore_mem>>)
    }
    %scan3A_6 = arith.constant 32 : i32
    %dma_wait3A = arith.constant 0 : i32
    %dma_wait3A_7 = arith.constant 0 : i32
    %dma_wait3A_8 = tpu.memref_slice %arg4[%dma_wait3A, %dma_wait3A_7] : memref<250000x128xf32, #tpu.memory_space<hbm>> -> memref<512x128xf32, #tpu.memory_space<hbm>>
    %dma_wait3A_9 = arith.constant 0 : i32
    %dma_wait3A_10 = arith.constant 0 : i32
    %dma_wait3A_11 = tpu.memref_slice %arg4[%dma_wait3A_9, %dma_wait3A_10] : memref<250000x128xf32, #tpu.memory_space<hbm>> -> memref<512x128xf32, #tpu.memory_space<hbm>>
    tpu.wait_dma2 semaphore(%arg11 : memref<!tpu.dma_semaphore, #tpu.memory_space<semaphore_mem>>) src(%dma_wait3A_11 : memref<512x128xf32, #tpu.memory_space<hbm>>) dst(%arg10 : memref<512x128xf32, #tpu.memory_space<vmem>>)
    "tpu.region"() ({
      %run_scoped3A = tpu.sem_alloc : memref<!tpu.dma_semaphore, #tpu.memory_space<semaphore_mem>>
      %dma_start3A = arith.constant 0 : i32
      %dma_start3A_23 = tpu.memref_slice %arg6[%mul3A_2, %dma_start3A] : memref<16384x128xf32, #tpu.memory_space<hbm>> -> memref<512x128xf32, #tpu.memory_space<hbm>>
      %dma_start3A_24 = arith.constant 0 : i32
      %dma_start3A_25 = tpu.memref_slice %arg6[%mul3A_2, %dma_start3A_24] : memref<16384x128xf32, #tpu.memory_space<hbm>> -> memref<512x128xf32, #tpu.memory_space<hbm>>
      tpu.enqueue_dma source(%arg10 : memref<512x128xf32, #tpu.memory_space<vmem>>) target(%dma_start3A_25 : memref<512x128xf32, #tpu.memory_space<hbm>>) target_semaphore(%run_scoped3A : memref<!tpu.dma_semaphore, #tpu.memory_space<semaphore_mem>>)
      %dma_wait3A_26 = arith.constant 0 : i32
      %dma_wait3A_27 = tpu.memref_slice %arg6[%mul3A_2, %dma_wait3A_26] : memref<16384x128xf32, #tpu.memory_space<hbm>> -> memref<512x128xf32, #tpu.memory_space<hbm>>
      %dma_wait3A_28 = arith.constant 0 : i32
      %dma_wait3A_29 = tpu.memref_slice %arg6[%mul3A_2, %dma_wait3A_28] : memref<16384x128xf32, #tpu.memory_space<hbm>> -> memref<512x128xf32, #tpu.memory_space<hbm>>
      tpu.wait_dma2 semaphore(%run_scoped3A : memref<!tpu.dma_semaphore, #tpu.memory_space<semaphore_mem>>) src(%arg10 : memref<512x128xf32, #tpu.memory_space<vmem>>) dst(%dma_wait3A_29 : memref<512x128xf32, #tpu.memory_space<hbm>>)
      tpu.yield
    }) : () -> ()
    %scan3A_12 = arith.constant 0 : i32
    %scan3A_13 = arith.constant 32 : i32
    %scan3A_14 = arith.addi %scan3A_12, %scan3A_13 : i32
    %scan3A_15 = arith.constant 1 : i32
    scf.for %scan3A_23 = %scan3A_12 to %scan3A_14 step %scan3A_15  : i32 {
      %mul3A_24 = arith.constant 1 : i32
      %mul3A_25 = arith.muli %scan3A_23, %mul3A_24 : i32
      %add3A_26 = arith.constant 0 : i32
      %add3A_27 = arith.addi %add3A_26, %mul3A_25 : i32
      %mul3A_28 = arith.constant 16 : i32
      %mul3A_29 = arith.muli %add3A_27, %mul3A_28 : i32
      %get3A = arith.index_cast %mul3A_29 : i32 to index
      %get3A_30 = tpu.vector_load %arg9[%get3A] {strides = array<i32>} : memref<512xi32, #tpu.memory_space<vmem>>, vector<16xi32>,
      %get3A_31 = vector.shape_cast %get3A_30 : vector<16xi32> to vector<16xi32>
      %shift_right_arithmetic3A = arith.constant 2 : i32
      %shift_right_arithmetic3A_32 = vector.broadcast %shift_right_arithmetic3A : i32 to vector<16xi32>
      %shift_right_arithmetic3A_33 = arith.shrsi %get3A_31, %shift_right_arithmetic3A_32 : vector<16xi32>
      %slice3A = vector.extract_strided_slice %shift_right_arithmetic3A_33 {offsets = [0], sizes = [1], strides = [1]} : vector<16xi32> to vector<1xi32>
      %squeeze3A = vector.extract %slice3A[0] : i32 from vector<1xi32>
      %mul3A_34 = arith.constant 16 : i32
      %mul3A_35 = arith.muli %add3A_27, %mul3A_34 : i32
      %add3A_36 = arith.constant 0 : i32
      %add3A_37 = arith.addi %mul3A_35, %add3A_36 : i32
      %dma_start3A = arith.constant 0 : i32
      %dma_start3A_38 = tpu.memref_slice %arg10[%add3A_37, %dma_start3A] : memref<512x128xf32, #tpu.memory_space<vmem>> -> memref<1x128xf32, #tpu.memory_space<vmem>>
      %dma_start3A_39 = arith.constant 0 : i32
      %dma_start3A_40 = tpu.memref_slice %arg5[%squeeze3A, %dma_start3A_39] : memref<250000x128xf32, #tpu.memory_space<hbm>> -> memref<1x128xf32, #tpu.memory_space<hbm>>
      %dma_start3A_41 = arith.constant 0 : i32
      %dma_start3A_42 = tpu.memref_slice %arg10[%add3A_37, %dma_start3A_41] : memref<512x128xf32, #tpu.memory_space<vmem>> -> memref<1x128xf32, #tpu.memory_space<vmem>>
      %dma_start3A_43 = arith.constant 0 : i32
      %dma_start3A_44 = tpu.memref_slice %arg5[%squeeze3A, %dma_start3A_43] : memref<250000x128xf32, #tpu.memory_space<hbm>> -> memref<1x128xf32, #tpu.memory_space<hbm>>
      tpu.enqueue_dma source(%dma_start3A_44 : memref<1x128xf32, #tpu.memory_space<hbm>>) target(%dma_start3A_42 : memref<1x128xf32, #tpu.memory_space<vmem>>) target_semaphore(%arg11 : memref<!tpu.dma_semaphore, #tpu.memory_space<semaphore_mem>>)
      %slice3A_45 = vector.extract_strided_slice %shift_right_arithmetic3A_33 {offsets = [1], sizes = [1], strides = [1]} : vector<16xi32> to vector<1xi32>
      %squeeze3A_46 = vector.extract %slice3A_45[0] : i32 from vector<1xi32>
      %mul3A_47 = arith.constant 16 : i32
      %mul3A_48 = arith.muli %add3A_27, %mul3A_47 : i32
      %add3A_49 = arith.constant 1 : i32
      %add3A_50 = arith.addi %mul3A_48, %add3A_49 : i32
      %dma_start3A_51 = arith.constant 0 : i32
      %dma_start3A_52 = tpu.memref_slice %arg10[%add3A_50, %dma_start3A_51] : memref<512x128xf32, #tpu.memory_space<vmem>> -> memref<1x128xf32, #tpu.memory_space<vmem>>
      %dma_start3A_53 = arith.constant 0 : i32
      %dma_start3A_54 = tpu.memref_slice %arg5[%squeeze3A_46, %dma_start3A_53] : memref<250000x128xf32, #tpu.memory_space<hbm>> -> memref<1x128xf32, #tpu.memory_space<hbm>>
      %dma_start3A_55 = arith.constant 0 : i32
      %dma_start3A_56 = tpu.memref_slice %arg10[%add3A_50, %dma_start3A_55] : memref<512x128xf32, #tpu.memory_space<vmem>> -> memref<1x128xf32, #tpu.memory_space<vmem>>
      %dma_start3A_57 = arith.constant 0 : i32
      %dma_start3A_58 = tpu.memref_slice %arg5[%squeeze3A_46, %dma_start3A_57] : memref<250000x128xf32, #tpu.memory_space<hbm>> -> memref<1x128xf32, #tpu.memory_space<hbm>>
      tpu.enqueue_dma source(%dma_start3A_58 : memref<1x128xf32, #tpu.memory_space<hbm>>) target(%dma_start3A_56 : memref<1x128xf32, #tpu.memory_space<vmem>>) target_semaphore(%arg11 : memref<!tpu.dma_semaphore, #tpu.memory_space<semaphore_mem>>)
      %slice3A_59 = vector.extract_strided_slice %shift_right_arithmetic3A_33 {offsets = [2], sizes = [1], strides = [1]} : vector<16xi32> to vector<1xi32>
      %squeeze3A_60 = vector.extract %slice3A_59[0] : i32 from vector<1xi32>
      %mul3A_61 = arith.constant 16 : i32
      %mul3A_62 = arith.muli %add3A_27, %mul3A_61 : i32
      %add3A_63 = arith.constant 2 : i32
      %add3A_64 = arith.addi %mul3A_62, %add3A_63 : i32
      %dma_start3A_65 = arith.constant 0 : i32
      %dma_start3A_66 = tpu.memref_slice %arg10[%add3A_64, %dma_start3A_65] : memref<512x128xf32, #tpu.memory_space<vmem>> -> memref<1x128xf32, #tpu.memory_space<vmem>>
      %dma_start3A_67 = arith.constant 0 : i32
      %dma_start3A_68 = tpu.memref_slice %arg5[%squeeze3A_60, %dma_start3A_67] : memref<250000x128xf32, #tpu.memory_space<hbm>> -> memref<1x128xf32, #tpu.memory_space<hbm>>
      %dma_start3A_69 = arith.constant 0 : i32
      %dma_start3A_70 = tpu.memref_slice %arg10[%add3A_64, %dma_start3A_69] : memref<512x128xf32, #tpu.memory_space<vmem>> -> memref<1x128xf32, #tpu.memory_space<vmem>>
      %dma_start3A_71 = arith.constant 0 : i32
      %dma_start3A_72 = tpu.memref_slice %arg5[%squeeze3A_60, %dma_start3A_71] : memref<250000x128xf32, #tpu.memory_space<hbm>> -> memref<1x128xf32, #tpu.memory_space<hbm>>
      tpu.enqueue_dma source(%dma_start3A_72 : memref<1x128xf32, #tpu.memory_space<hbm>>) target(%dma_start3A_70 : memref<1x128xf32, #tpu.memory_space<vmem>>) target_semaphore(%arg11 : memref<!tpu.dma_semaphore, #tpu.memory_space<semaphore_mem>>)
      %slice3A_73 = vector.extract_strided_slice %shift_right_arithmetic3A_33 {offsets = [3], sizes = [1], strides = [1]} : vector<16xi32> to vector<1xi32>
      %squeeze3A_74 = vector.extract %slice3A_73[0] : i32 from vector<1xi32>
      %mul3A_75 = arith.constant 16 : i32
      %mul3A_76 = arith.muli %add3A_27, %mul3A_75 : i32
      %add3A_77 = arith.constant 3 : i32
      %add3A_78 = arith.addi %mul3A_76, %add3A_77 : i32
      %dma_start3A_79 = arith.constant 0 : i32
      %dma_start3A_80 = tpu.memref_slice %arg10[%add3A_78, %dma_start3A_79] : memref<512x128xf32, #tpu.memory_space<vmem>> -> memref<1x128xf32, #tpu.memory_space<vmem>>
      %dma_start3A_81 = arith.constant 0 : i32
      %dma_start3A_82 = tpu.memref_slice %arg5[%squeeze3A_74, %dma_start3A_81] : memref<250000x128xf32, #tpu.memory_space<hbm>> -> memref<1x128xf32, #tpu.memory_space<hbm>>
      %dma_start3A_83 = arith.constant 0 : i32
      %dma_start3A_84 = tpu.memref_slice %arg10[%add3A_78, %dma_start3A_83] : memref<512x128xf32, #tpu.memory_space<vmem>> -> memref<1x128xf32, #tpu.memory_space<vmem>>
      %dma_start3A_85 = arith.constant 0 : i32
      %dma_start3A_86 = tpu.memref_slice %arg5[%squeeze3A_74, %dma_start3A_85] : memref<250000x128xf32, #tpu.memory_space<hbm>> -> memref<1x128xf32, #tpu.memory_space<hbm>>
      tpu.enqueue_dma source(%dma_start3A_86 : memref<1x128xf32, #tpu.memory_space<hbm>>) target(%dma_start3A_84 : memref<1x128xf32, #tpu.memory_space<vmem>>) target_semaphore(%arg11 : memref<!tpu.dma_semaphore, #tpu.memory_space<semaphore_mem>>)
      %slice3A_87 = vector.extract_strided_slice %shift_right_arithmetic3A_33 {offsets = [4], sizes = [1], strides = [1]} : vector<16xi32> to vector<1xi32>
      %squeeze3A_88 = vector.extract %slice3A_87[0] : i32 from vector<1xi32>
      %mul3A_89 = arith.constant 16 : i32
      %mul3A_90 = arith.muli %add3A_27, %mul3A_89 : i32
      %add3A_91 = arith.constant 4 : i32
      %add3A_92 = arith.addi %mul3A_90, %add3A_91 : i32
      %dma_start3A_93 = arith.constant 0 : i32
      %dma_start3A_94 = tpu.memref_slice %arg10[%add3A_92, %dma_start3A_93] : memref<512x128xf32, #tpu.memory_space<vmem>> -> memref<1x128xf32, #tpu.memory_space<vmem>>
      %dma_start3A_95 = arith.constant 0 : i32
      %dma_start3A_96 = tpu.memref_slice %arg5[%squeeze3A_88, %dma_start3A_95] : memref<250000x128xf32, #tpu.memory_space<hbm>> -> memref<1x128xf32, #tpu.memory_space<hbm>>
      %dma_start3A_97 = arith.constant 0 : i32
      %dma_start3A_98 = tpu.memref_slice %arg10[%add3A_92, %dma_start3A_97] : memref<512x128xf32, #tpu.memory_space<vmem>> -> memref<1x128xf32, #tpu.memory_space<vmem>>
      %dma_start3A_99 = arith.constant 0 : i32
      %dma_start3A_100 = tpu.memref_slice %arg5[%squeeze3A_88, %dma_start3A_99] : memref<250000x128xf32, #tpu.memory_space<hbm>> -> memref<1x128xf32, #tpu.memory_space<hbm>>
      tpu.enqueue_dma source(%dma_start3A_100 : memref<1x128xf32, #tpu.memory_space<hbm>>) target(%dma_start3A_98 : memref<1x128xf32, #tpu.memory_space<vmem>>) target_semaphore(%arg11 : memref<!tpu.dma_semaphore, #tpu.memory_space<semaphore_mem>>)
      %slice3A_101 = vector.extract_strided_slice %shift_right_arithmetic3A_33 {offsets = [5], sizes = [1], strides = [1]} : vector<16xi32> to vector<1xi32>
      %squeeze3A_102 = vector.extract %slice3A_101[0] : i32 from vector<1xi32>
      %mul3A_103 = arith.constant 16 : i32
      %mul3A_104 = arith.muli %add3A_27, %mul3A_103 : i32
      %add3A_105 = arith.constant 5 : i32
      %add3A_106 = arith.addi %mul3A_104, %add3A_105 : i32
      %dma_start3A_107 = arith.constant 0 : i32
      %dma_start3A_108 = tpu.memref_slice %arg10[%add3A_106, %dma_start3A_107] : memref<512x128xf32, #tpu.memory_space<vmem>> -> memref<1x128xf32, #tpu.memory_space<vmem>>
      %dma_start3A_109 = arith.constant 0 : i32
      %dma_start3A_110 = tpu.memref_slice %arg5[%squeeze3A_102, %dma_start3A_109] : memref<250000x128xf32, #tpu.memory_space<hbm>> -> memref<1x128xf32, #tpu.memory_space<hbm>>
      %dma_start3A_111 = arith.constant 0 : i32
      %dma_start3A_112 = tpu.memref_slice %arg10[%add3A_106, %dma_start3A_111] : memref<512x128xf32, #tpu.memory_space<vmem>> -> memref<1x128xf32, #tpu.memory_space<vmem>>
      %dma_start3A_113 = arith.constant 0 : i32
      %dma_start3A_114 = tpu.memref_slice %arg5[%squeeze3A_102, %dma_start3A_113] : memref<250000x128xf32, #tpu.memory_space<hbm>> -> memref<1x128xf32, #tpu.memory_space<hbm>>
      tpu.enqueue_dma source(%dma_start3A_114 : memref<1x128xf32, #tpu.memory_space<hbm>>) target(%dma_start3A_112 : memref<1x128xf32, #tpu.memory_space<vmem>>) target_semaphore(%arg11 : memref<!tpu.dma_semaphore, #tpu.memory_space<semaphore_mem>>)
      %slice3A_115 = vector.extract_strided_slice %shift_right_arithmetic3A_33 {offsets = [6], sizes = [1], strides = [1]} : vector<16xi32> to vector<1xi32>
      %squeeze3A_116 = vector.extract %slice3A_115[0] : i32 from vector<1xi32>
      %mul3A_117 = arith.constant 16 : i32
      %mul3A_118 = arith.muli %add3A_27, %mul3A_117 : i32
      %add3A_119 = arith.constant 6 : i32
      %add3A_120 = arith.addi %mul3A_118, %add3A_119 : i32
      %dma_start3A_121 = arith.constant 0 : i32
      %dma_start3A_122 = tpu.memref_slice %arg10[%add3A_120, %dma_start3A_121] : memref<512x128xf32, #tpu.memory_space<vmem>> -> memref<1x128xf32, #tpu.memory_space<vmem>>
      %dma_start3A_123 = arith.constant 0 : i32
      %dma_start3A_124 = tpu.memref_slice %arg5[%squeeze3A_116, %dma_start3A_123] : memref<250000x128xf32, #tpu.memory_space<hbm>> -> memref<1x128xf32, #tpu.memory_space<hbm>>
      %dma_start3A_125 = arith.constant 0 : i32
      %dma_start3A_126 = tpu.memref_slice %arg10[%add3A_120, %dma_start3A_125] : memref<512x128xf32, #tpu.memory_space<vmem>> -> memref<1x128xf32, #tpu.memory_space<vmem>>
      %dma_start3A_127 = arith.constant 0 : i32
      %dma_start3A_128 = tpu.memref_slice %arg5[%squeeze3A_116, %dma_start3A_127] : memref<250000x128xf32, #tpu.memory_space<hbm>> -> memref<1x128xf32, #tpu.memory_space<hbm>>
      tpu.enqueue_dma source(%dma_start3A_128 : memref<1x128xf32, #tpu.memory_space<hbm>>) target(%dma_start3A_126 : memref<1x128xf32, #tpu.memory_space<vmem>>) target_semaphore(%arg11 : memref<!tpu.dma_semaphore, #tpu.memory_space<semaphore_mem>>)
      %slice3A_129 = vector.extract_strided_slice %shift_right_arithmetic3A_33 {offsets = [7], sizes = [1], strides = [1]} : vector<16xi32> to vector<1xi32>
      %squeeze3A_130 = vector.extract %slice3A_129[0] : i32 from vector<1xi32>
      %mul3A_131 = arith.constant 16 : i32
      %mul3A_132 = arith.muli %add3A_27, %mul3A_131 : i32
      %add3A_133 = arith.constant 7 : i32
      %add3A_134 = arith.addi %mul3A_132, %add3A_133 : i32
      %dma_start3A_135 = arith.constant 0 : i32
      %dma_start3A_136 = tpu.memref_slice %arg10[%add3A_134, %dma_start3A_135] : memref<512x128xf32, #tpu.memory_space<vmem>> -> memref<1x128xf32, #tpu.memory_space<vmem>>
      %dma_start3A_137 = arith.constant 0 : i32
      %dma_start3A_138 = tpu.memref_slice %arg5[%squeeze3A_130, %dma_start3A_137] : memref<250000x128xf32, #tpu.memory_space<hbm>> -> memref<1x128xf32, #tpu.memory_space<hbm>>
      %dma_start3A_139 = arith.constant 0 : i32
      %dma_start3A_140 = tpu.memref_slice %arg10[%add3A_134, %dma_start3A_139] : memref<512x128xf32, #tpu.memory_space<vmem>> -> memref<1x128xf32, #tpu.memory_space<vmem>>
      %dma_start3A_141 = arith.constant 0 : i32
      %dma_start3A_142 = tpu.memref_slice %arg5[%squeeze3A_130, %dma_start3A_141] : memref<250000x128xf32, #tpu.memory_space<hbm>> -> memref<1x128xf32, #tpu.memory_space<hbm>>
      tpu.enqueue_dma source(%dma_start3A_142 : memref<1x128xf32, #tpu.memory_space<hbm>>) target(%dma_start3A_140 : memref<1x128xf32, #tpu.memory_space<vmem>>) target_semaphore(%arg11 : memref<!tpu.dma_semaphore, #tpu.memory_space<semaphore_mem>>)
      %slice3A_143 = vector.extract_strided_slice %shift_right_arithmetic3A_33 {offsets = [8], sizes = [1], strides = [1]} : vector<16xi32> to vector<1xi32>
      %squeeze3A_144 = vector.extract %slice3A_143[0] : i32 from vector<1xi32>
      %mul3A_145 = arith.constant 16 : i32
      %mul3A_146 = arith.muli %add3A_27, %mul3A_145 : i32
      %add3A_147 = arith.constant 8 : i32
      %add3A_148 = arith.addi %mul3A_146, %add3A_147 : i32
      %dma_start3A_149 = arith.constant 0 : i32
      %dma_start3A_150 = tpu.memref_slice %arg10[%add3A_148, %dma_start3A_149] : memref<512x128xf32, #tpu.memory_space<vmem>> -> memref<1x128xf32, #tpu.memory_space<vmem>>
      %dma_start3A_151 = arith.constant 0 : i32
      %dma_start3A_152 = tpu.memref_slice %arg5[%squeeze3A_144, %dma_start3A_151] : memref<250000x128xf32, #tpu.memory_space<hbm>> -> memref<1x128xf32, #tpu.memory_space<hbm>>
      %dma_start3A_153 = arith.constant 0 : i32
      %dma_start3A_154 = tpu.memref_slice %arg10[%add3A_148, %dma_start3A_153] : memref<512x128xf32, #tpu.memory_space<vmem>> -> memref<1x128xf32, #tpu.memory_space<vmem>>
      %dma_start3A_155 = arith.constant 0 : i32
      %dma_start3A_156 = tpu.memref_slice %arg5[%squeeze3A_144, %dma_start3A_155] : memref<250000x128xf32, #tpu.memory_space<hbm>> -> memref<1x128xf32, #tpu.memory_space<hbm>>
      tpu.enqueue_dma source(%dma_start3A_156 : memref<1x128xf32, #tpu.memory_space<hbm>>) target(%dma_start3A_154 : memref<1x128xf32, #tpu.memory_space<vmem>>) target_semaphore(%arg11 : memref<!tpu.dma_semaphore, #tpu.memory_space<semaphore_mem>>)
      %slice3A_157 = vector.extract_strided_slice %shift_right_arithmetic3A_33 {offsets = [9], sizes = [1], strides = [1]} : vector<16xi32> to vector<1xi32>
      %squeeze3A_158 = vector.extract %slice3A_157[0] : i32 from vector<1xi32>
      %mul3A_159 = arith.constant 16 : i32
      %mul3A_160 = arith.muli %add3A_27, %mul3A_159 : i32
      %add3A_161 = arith.constant 9 : i32
      %add3A_162 = arith.addi %mul3A_160, %add3A_161 : i32
      %dma_start3A_163 = arith.constant 0 : i32
      %dma_start3A_164 = tpu.memref_slice %arg10[%add3A_162, %dma_start3A_163] : memref<512x128xf32, #tpu.memory_space<vmem>> -> memref<1x128xf32, #tpu.memory_space<vmem>>
      %dma_start3A_165 = arith.constant 0 : i32
      %dma_start3A_166 = tpu.memref_slice %arg5[%squeeze3A_158, %dma_start3A_165] : memref<250000x128xf32, #tpu.memory_space<hbm>> -> memref<1x128xf32, #tpu.memory_space<hbm>>
      %dma_start3A_167 = arith.constant 0 : i32
      %dma_start3A_168 = tpu.memref_slice %arg10[%add3A_162, %dma_start3A_167] : memref<512x128xf32, #tpu.memory_space<vmem>> -> memref<1x128xf32, #tpu.memory_space<vmem>>
      %dma_start3A_169 = arith.constant 0 : i32
      %dma_start3A_170 = tpu.memref_slice %arg5[%squeeze3A_158, %dma_start3A_169] : memref<250000x128xf32, #tpu.memory_space<hbm>> -> memref<1x128xf32, #tpu.memory_space<hbm>>
      tpu.enqueue_dma source(%dma_start3A_170 : memref<1x128xf32, #tpu.memory_space<hbm>>) target(%dma_start3A_168 : memref<1x128xf32, #tpu.memory_space<vmem>>) target_semaphore(%arg11 : memref<!tpu.dma_semaphore, #tpu.memory_space<semaphore_mem>>)
      %slice3A_171 = vector.extract_strided_slice %shift_right_arithmetic3A_33 {offsets = [10], sizes = [1], strides = [1]} : vector<16xi32> to vector<1xi32>
      %squeeze3A_172 = vector.extract %slice3A_171[0] : i32 from vector<1xi32>
      %mul3A_173 = arith.constant 16 : i32
      %mul3A_174 = arith.muli %add3A_27, %mul3A_173 : i32
      %add3A_175 = arith.constant 10 : i32
      %add3A_176 = arith.addi %mul3A_174, %add3A_175 : i32
      %dma_start3A_177 = arith.constant 0 : i32
      %dma_start3A_178 = tpu.memref_slice %arg10[%add3A_176, %dma_start3A_177] : memref<512x128xf32, #tpu.memory_space<vmem>> -> memref<1x128xf32, #tpu.memory_space<vmem>>
      %dma_start3A_179 = arith.constant 0 : i32
      %dma_start3A_180 = tpu.memref_slice %arg5[%squeeze3A_172, %dma_start3A_179] : memref<250000x128xf32, #tpu.memory_space<hbm>> -> memref<1x128xf32, #tpu.memory_space<hbm>>
      %dma_start3A_181 = arith.constant 0 : i32
      %dma_start3A_182 = tpu.memref_slice %arg10[%add3A_176, %dma_start3A_181] : memref<512x128xf32, #tpu.memory_space<vmem>> -> memref<1x128xf32, #tpu.memory_space<vmem>>
      %dma_start3A_183 = arith.constant 0 : i32
      %dma_start3A_184 = tpu.memref_slice %arg5[%squeeze3A_172, %dma_start3A_183] : memref<250000x128xf32, #tpu.memory_space<hbm>> -> memref<1x128xf32, #tpu.memory_space<hbm>>
      tpu.enqueue_dma source(%dma_start3A_184 : memref<1x128xf32, #tpu.memory_space<hbm>>) target(%dma_start3A_182 : memref<1x128xf32, #tpu.memory_space<vmem>>) target_semaphore(%arg11 : memref<!tpu.dma_semaphore, #tpu.memory_space<semaphore_mem>>)
      %slice3A_185 = vector.extract_strided_slice %shift_right_arithmetic3A_33 {offsets = [11], sizes = [1], strides = [1]} : vector<16xi32> to vector<1xi32>
      %squeeze3A_186 = vector.extract %slice3A_185[0] : i32 from vector<1xi32>
      %mul3A_187 = arith.constant 16 : i32
      %mul3A_188 = arith.muli %add3A_27, %mul3A_187 : i32
      %add3A_189 = arith.constant 11 : i32
      %add3A_190 = arith.addi %mul3A_188, %add3A_189 : i32
      %dma_start3A_191 = arith.constant 0 : i32
      %dma_start3A_192 = tpu.memref_slice %arg10[%add3A_190, %dma_start3A_191] : memref<512x128xf32, #tpu.memory_space<vmem>> -> memref<1x128xf32, #tpu.memory_space<vmem>>
      %dma_start3A_193 = arith.constant 0 : i32
      %dma_start3A_194 = tpu.memref_slice %arg5[%squeeze3A_186, %dma_start3A_193] : memref<250000x128xf32, #tpu.memory_space<hbm>> -> memref<1x128xf32, #tpu.memory_space<hbm>>
      %dma_start3A_195 = arith.constant 0 : i32
      %dma_start3A_196 = tpu.memref_slice %arg10[%add3A_190, %dma_start3A_195] : memref<512x128xf32, #tpu.memory_space<vmem>> -> memref<1x128xf32, #tpu.memory_space<vmem>>
      %dma_start3A_197 = arith.constant 0 : i32
      %dma_start3A_198 = tpu.memref_slice %arg5[%squeeze3A_186, %dma_start3A_197] : memref<250000x128xf32, #tpu.memory_space<hbm>> -> memref<1x128xf32, #tpu.memory_space<hbm>>
      tpu.enqueue_dma source(%dma_start3A_198 : memref<1x128xf32, #tpu.memory_space<hbm>>) target(%dma_start3A_196 : memref<1x128xf32, #tpu.memory_space<vmem>>) target_semaphore(%arg11 : memref<!tpu.dma_semaphore, #tpu.memory_space<semaphore_mem>>)
      %slice3A_199 = vector.extract_strided_slice %shift_right_arithmetic3A_33 {offsets = [12], sizes = [1], strides = [1]} : vector<16xi32> to vector<1xi32>
      %squeeze3A_200 = vector.extract %slice3A_199[0] : i32 from vector<1xi32>
      %mul3A_201 = arith.constant 16 : i32
      %mul3A_202 = arith.muli %add3A_27, %mul3A_201 : i32
      %add3A_203 = arith.constant 12 : i32
      %add3A_204 = arith.addi %mul3A_202, %add3A_203 : i32
      %dma_start3A_205 = arith.constant 0 : i32
      %dma_start3A_206 = tpu.memref_slice %arg10[%add3A_204, %dma_start3A_205] : memref<512x128xf32, #tpu.memory_space<vmem>> -> memref<1x128xf32, #tpu.memory_space<vmem>>
      %dma_start3A_207 = arith.constant 0 : i32
      %dma_start3A_208 = tpu.memref_slice %arg5[%squeeze3A_200, %dma_start3A_207] : memref<250000x128xf32, #tpu.memory_space<hbm>> -> memref<1x128xf32, #tpu.memory_space<hbm>>
      %dma_start3A_209 = arith.constant 0 : i32
      %dma_start3A_210 = tpu.memref_slice %arg10[%add3A_204, %dma_start3A_209] : memref<512x128xf32, #tpu.memory_space<vmem>> -> memref<1x128xf32, #tpu.memory_space<vmem>>
      %dma_start3A_211 = arith.constant 0 : i32
      %dma_start3A_212 = tpu.memref_slice %arg5[%squeeze3A_200, %dma_start3A_211] : memref<250000x128xf32, #tpu.memory_space<hbm>> -> memref<1x128xf32, #tpu.memory_space<hbm>>
      tpu.enqueue_dma source(%dma_start3A_212 : memref<1x128xf32, #tpu.memory_space<hbm>>) target(%dma_start3A_210 : memref<1x128xf32, #tpu.memory_space<vmem>>) target_semaphore(%arg11 : memref<!tpu.dma_semaphore, #tpu.memory_space<semaphore_mem>>)
      %slice3A_213 = vector.extract_strided_slice %shift_right_arithmetic3A_33 {offsets = [13], sizes = [1], strides = [1]} : vector<16xi32> to vector<1xi32>
      %squeeze3A_214 = vector.extract %slice3A_213[0] : i32 from vector<1xi32>
      %mul3A_215 = arith.constant 16 : i32
      %mul3A_216 = arith.muli %add3A_27, %mul3A_215 : i32
      %add3A_217 = arith.constant 13 : i32
      %add3A_218 = arith.addi %mul3A_216, %add3A_217 : i32
      %dma_start3A_219 = arith.constant 0 : i32
      %dma_start3A_220 = tpu.memref_slice %arg10[%add3A_218, %dma_start3A_219] : memref<512x128xf32, #tpu.memory_space<vmem>> -> memref<1x128xf32, #tpu.memory_space<vmem>>
      %dma_start3A_221 = arith.constant 0 : i32
      %dma_start3A_222 = tpu.memref_slice %arg5[%squeeze3A_214, %dma_start3A_221] : memref<250000x128xf32, #tpu.memory_space<hbm>> -> memref<1x128xf32, #tpu.memory_space<hbm>>
      %dma_start3A_223 = arith.constant 0 : i32
      %dma_start3A_224 = tpu.memref_slice %arg10[%add3A_218, %dma_start3A_223] : memref<512x128xf32, #tpu.memory_space<vmem>> -> memref<1x128xf32, #tpu.memory_space<vmem>>
      %dma_start3A_225 = arith.constant 0 : i32
      %dma_start3A_226 = tpu.memref_slice %arg5[%squeeze3A_214, %dma_start3A_225] : memref<250000x128xf32, #tpu.memory_space<hbm>> -> memref<1x128xf32, #tpu.memory_space<hbm>>
      tpu.enqueue_dma source(%dma_start3A_226 : memref<1x128xf32, #tpu.memory_space<hbm>>) target(%dma_start3A_224 : memref<1x128xf32, #tpu.memory_space<vmem>>) target_semaphore(%arg11 : memref<!tpu.dma_semaphore, #tpu.memory_space<semaphore_mem>>)
      %slice3A_227 = vector.extract_strided_slice %shift_right_arithmetic3A_33 {offsets = [14], sizes = [1], strides = [1]} : vector<16xi32> to vector<1xi32>
      %squeeze3A_228 = vector.extract %slice3A_227[0] : i32 from vector<1xi32>
      %mul3A_229 = arith.constant 16 : i32
      %mul3A_230 = arith.muli %add3A_27, %mul3A_229 : i32
      %add3A_231 = arith.constant 14 : i32
      %add3A_232 = arith.addi %mul3A_230, %add3A_231 : i32
      %dma_start3A_233 = arith.constant 0 : i32
      %dma_start3A_234 = tpu.memref_slice %arg10[%add3A_232, %dma_start3A_233] : memref<512x128xf32, #tpu.memory_space<vmem>> -> memref<1x128xf32, #tpu.memory_space<vmem>>
      %dma_start3A_235 = arith.constant 0 : i32
      %dma_start3A_236 = tpu.memref_slice %arg5[%squeeze3A_228, %dma_start3A_235] : memref<250000x128xf32, #tpu.memory_space<hbm>> -> memref<1x128xf32, #tpu.memory_space<hbm>>
      %dma_start3A_237 = arith.constant 0 : i32
      %dma_start3A_238 = tpu.memref_slice %arg10[%add3A_232, %dma_start3A_237] : memref<512x128xf32, #tpu.memory_space<vmem>> -> memref<1x128xf32, #tpu.memory_space<vmem>>
      %dma_start3A_239 = arith.constant 0 : i32
      %dma_start3A_240 = tpu.memref_slice %arg5[%squeeze3A_228, %dma_start3A_239] : memref<250000x128xf32, #tpu.memory_space<hbm>> -> memref<1x128xf32, #tpu.memory_space<hbm>>
      tpu.enqueue_dma source(%dma_start3A_240 : memref<1x128xf32, #tpu.memory_space<hbm>>) target(%dma_start3A_238 : memref<1x128xf32, #tpu.memory_space<vmem>>) target_semaphore(%arg11 : memref<!tpu.dma_semaphore, #tpu.memory_space<semaphore_mem>>)
      %slice3A_241 = vector.extract_strided_slice %shift_right_arithmetic3A_33 {offsets = [15], sizes = [1], strides = [1]} : vector<16xi32> to vector<1xi32>
      %squeeze3A_242 = vector.extract %slice3A_241[0] : i32 from vector<1xi32>
      %mul3A_243 = arith.constant 16 : i32
      %mul3A_244 = arith.muli %add3A_27, %mul3A_243 : i32
      %add3A_245 = arith.constant 15 : i32
      %add3A_246 = arith.addi %mul3A_244, %add3A_245 : i32
      %dma_start3A_247 = arith.constant 0 : i32
      %dma_start3A_248 = tpu.memref_slice %arg10[%add3A_246, %dma_start3A_247] : memref<512x128xf32, #tpu.memory_space<vmem>> -> memref<1x128xf32, #tpu.memory_space<vmem>>
      %dma_start3A_249 = arith.constant 0 : i32
      %dma_start3A_250 = tpu.memref_slice %arg5[%squeeze3A_242, %dma_start3A_249] : memref<250000x128xf32, #tpu.memory_space<hbm>> -> memref<1x128xf32, #tpu.memory_space<hbm>>
      %dma_start3A_251 = arith.constant 0 : i32
      %dma_start3A_252 = tpu.memref_slice %arg10[%add3A_246, %dma_start3A_251] : memref<512x128xf32, #tpu.memory_space<vmem>> -> memref<1x128xf32, #tpu.memory_space<vmem>>
      %dma_start3A_253 = arith.constant 0 : i32
      %dma_start3A_254 = tpu.memref_slice %arg5[%squeeze3A_242, %dma_start3A_253] : memref<250000x128xf32, #tpu.memory_space<hbm>> -> memref<1x128xf32, #tpu.memory_space<hbm>>
      tpu.enqueue_dma source(%dma_start3A_254 : memref<1x128xf32, #tpu.memory_space<hbm>>) target(%dma_start3A_252 : memref<1x128xf32, #tpu.memory_space<vmem>>) target_semaphore(%arg11 : memref<!tpu.dma_semaphore, #tpu.memory_space<semaphore_mem>>)
    }
    %scan3A_16 = arith.constant 32 : i32
    %dma_wait3A_17 = arith.constant 0 : i32
    %dma_wait3A_18 = arith.constant 0 : i32
    %dma_wait3A_19 = tpu.memref_slice %arg5[%dma_wait3A_17, %dma_wait3A_18] : memref<250000x128xf32, #tpu.memory_space<hbm>> -> memref<512x128xf32, #tpu.memory_space<hbm>>
    %dma_wait3A_20 = arith.constant 0 : i32
    %dma_wait3A_21 = arith.constant 0 : i32
    %dma_wait3A_22 = tpu.memref_slice %arg5[%dma_wait3A_20, %dma_wait3A_21] : memref<250000x128xf32, #tpu.memory_space<hbm>> -> memref<512x128xf32, #tpu.memory_space<hbm>>
    tpu.wait_dma2 semaphore(%arg11 : memref<!tpu.dma_semaphore, #tpu.memory_space<semaphore_mem>>) src(%dma_wait3A_22 : memref<512x128xf32, #tpu.memory_space<hbm>>) dst(%arg10 : memref<512x128xf32, #tpu.memory_space<vmem>>)
    "tpu.region"() ({
      %run_scoped3A = tpu.sem_alloc : memref<!tpu.dma_semaphore, #tpu.memory_space<semaphore_mem>>
      %dma_start3A = arith.constant 0 : i32
      %dma_start3A_23 = tpu.memref_slice %arg7[%mul3A_2, %dma_start3A] : memref<16384x128xf32, #tpu.memory_space<hbm>> -> memref<512x128xf32, #tpu.memory_space<hbm>>
      %dma_start3A_24 = arith.constant 0 : i32
      %dma_start3A_25 = tpu.memref_slice %arg7[%mul3A_2, %dma_start3A_24] : memref<16384x128xf32, #tpu.memory_space<hbm>> -> memref<512x128xf32, #tpu.memory_space<hbm>>
      tpu.enqueue_dma source(%arg10 : memref<512x128xf32, #tpu.memory_space<vmem>>) target(%dma_start3A_25 : memref<512x128xf32, #tpu.memory_space<hbm>>) target_semaphore(%run_scoped3A : memref<!tpu.dma_semaphore, #tpu.memory_space<semaphore_mem>>)
      %dma_wait3A_26 = arith.constant 0 : i32
      %dma_wait3A_27 = tpu.memref_slice %arg7[%mul3A_2, %dma_wait3A_26] : memref<16384x128xf32, #tpu.memory_space<hbm>> -> memref<512x128xf32, #tpu.memory_space<hbm>>
      %dma_wait3A_28 = arith.constant 0 : i32
      %dma_wait3A_29 = tpu.memref_slice %arg7[%mul3A_2, %dma_wait3A_28] : memref<16384x128xf32, #tpu.memory_space<hbm>> -> memref<512x128xf32, #tpu.memory_space<hbm>>
      tpu.wait_dma2 semaphore(%run_scoped3A : memref<!tpu.dma_semaphore, #tpu.memory_space<semaphore_mem>>) src(%arg10 : memref<512x128xf32, #tpu.memory_space<vmem>>) dst(%dma_wait3A_29 : memref<512x128xf32, #tpu.memory_space<hbm>>)
      tpu.yield
    }) : () -> ()
    return
  }
}

</mosaic_0001>

<sc_bundles>
// kernel: _gather.3.cloned.1.call-start
scs
__scs_entry_jumppad:
0x0: {  	(pc) =	sbr.rel $0x88, $3  }
0x1: {  	(tag) =	ssettag $0x0;
	lr =	simm.s32 $0x1  }
0x2: {  	[smem:$0x3F9D] =	sst lr;
	_ =	strace $0xD0000000  }
0x3: {  	_ = 	snop  }
0x4: {  	_ = 	snop  }
0x5: {  	_ = 	snop  }
0x6: {  	_ = 	snop  }
0x7: {  	_ = 	snop  }
__scs_overlays_trampoline_lowered:
0x8: {  	[smem:$0x3FAC] =	sst s0  }
0x9: {  	[smem:$0x3FAD] =	sst s1  }
0xa: {  	[smem:$0x3FAE] =	sst s2  }
0xb: {  	[smem:$0x3FAF] =	sst s3  }
0xc: {  	[smem:$0x3FB0] =	sst s4  }
0xd: {  	[smem:$0x3FB1] =	sst s5  }
0xe: {  	[smem:$0x3FB2] =	sst s6  }
0xf: {  	[smem:$0x3FB3] =	sst s7  }
0x10: {  	[smem:$0x3FB4] =	sst s8  }
0x11: {  	[smem:$0x3FB5] =	sst s9;
	s0 =	simm.s32 @!p0 $0x0  }
0x12: {  	s1 =	sld [smem:$0x3F9B];
	s0 =	simm.s32 @p0 $0x1  }
0x13: {  	[smem:$0x3FB6] =	sst s0;
	s0 =	simm.s32 @!p1 $0x0  }
0x14: {  	s2 =	sld [smem:$0x3F9A];
	s0 =	simm.s32 @p1 $0x1  }
0x15: {  	[smem:$0x3FB7] =	sst s0;
	s0 =	simm.s32 @!p2 $0x0  }
0x16: {  	s3 =	sld [smem:$0x3FDB];
	s0 =	simm.s32 @p2 $0x1  }
0x17: {  	s4 =	simm.s32 $0x1BF5;
	[smem:$0x3FB9] =	sst s0  }
0x18: {  	s0 =	sld [smem:$0x3F9C];
	_ =	swait.ge [sflag:s4], $0x0  }
0x19: {  	s7 =	sld [smem:$0x3F9D]  }
0x1a: {  	s8 =	sadd.s32 $0xFFFFE003, lr  }
0x1b: {  	s9 =	sadd.s32 $0xFFFFFEF7, lr;
	s5 =	simm.s32 $0xFFFFFFFF;
	p2 =	slt.u32 s8, $0xFFFFF086  }
0x1c: {  	p1 =	slt.u32 s9, $0xF7A;
	s5 =	simm.s32 @!p2 $0x0  }
0x1d: {  	s5 =	simm.s32 @p1 $0x1;
	p0 =	seq.s32 s7, s2  }
0x1e: {  	s7 =	smul.u32 @!p0 $0xF7A, s2;
	p2 =	seq.s32 @!p0 s5, $0x0  }
0x1f: {  	s9 =	smul.u32 $0xF7A, s1;
	s8 =	simm.s32 @!p0 $0x1BF5;
	p2 =	por !p2, p0  }
0x20: {  	[sflag:s8] =	ssyncset.s32 @!p0 $0xFFFFF086;
	s6 =	sadd.s32 @!p0 s3, s7;
	s7 =	simm.s32 @!p0 $0x108  }
0x21: {  	s3 =	sadd.s32 s3, s9;
	s6 =	sadd.s32 @!p0 $0x88, s6;
	s7 =	simm.s32 @p2 $0x1082  }
0x22: {  	[simem:s7], [sflag:s8] =	dma.local @!p0 [hbm:s6], $0xF7A  }
0x23: {  	s9 =	sor.u32 $0xD0000000, s2;
	s6 =	simm.s32 $0x108;
	_ =	swait.ge @!p0 [sflag:s8], $0x0  }
0x24: {  	s3 =	sadd.s32 $0x88, s3;
	s6 =	simm.s32 @!p1 $0x1082;
	[sflag:s4] =	ssyncset.s32 $0xFFFFF086  }
0x25: {  	[simem:s6], [sflag:s4] =	dma.local [hbm:s3], $0xF7A  }
0x26: {  	[smem:$0x3F9D] =	sst s1;
	(tag) =	ssettag s2;
	_ =	strace s9  }
0x27: {  	s1 =	sld [smem:$0x3FAD]  }
0x28: {  	s2 =	sld [smem:$0x3FAE]  }
0x29: {  	s4 =	sld [smem:$0x3FB0]  }
0x2a: {  	p0 =	seq.s32 s5, $0x0;
	s5 =	sld [smem:$0x3FB1]  }
0x2b: {  	s6 =	sld [smem:$0x3FB2]  }
0x2c: {  	s7 =	sld [smem:$0x3FB3]  }
0x2d: {  	s3 =	simm.s32 $0x108;
	s8 =	sld [smem:$0x3FB4]  }
0x2e: {  	s3 =	simm.s32 @!p0 $0x1082;
	s9 =	sld [smem:$0x3FB5]  }
0x2f: {  	lr =	sadd.s32 s0, s3;
	s0 =	sld [smem:$0x3FAC]  }
0x30: {  	s3 =	sld [smem:$0x3FAF]  }
0x31: {  	[smem:$0x3FB8] =	sst s10  }
0x32: {  	s10 =	sld [smem:$0x3FB6];
	_ =	sdelay $0x3  }
0x33: {  	p0 =	seq.s32 s10, $0x1;
	s10 =	sld [smem:$0x3FB8];
	_ =	sdelay $0x3  }
0x34: {  	[smem:$0x3FB8] =	sst s10  }
0x35: {  	s10 =	sld [smem:$0x3FB7];
	_ =	sdelay $0x3  }
0x36: {  	p1 =	seq.s32 s10, $0x1;
	s10 =	sld [smem:$0x3FB8];
	_ =	sdelay $0x3  }
0x37: {  	[smem:$0x3FB8] =	sst s10  }
0x38: {  	s10 =	sld [smem:$0x3FB9]  }
0x39: {  	_ = 	snop;
	(pc) =	sbr.ind lr, $3  }
0x3a: {  	_ = 	snop  }
0x3b: {  	_ = 	snop  }
0x3c: {  	p2 =	seq.s32 s10, $0x1;
	s10 =	sld [smem:$0x3FB8]  }
0x3d: {  	_ =	shalt  }
0x3e: {  	_ =	shalt  }
0x3f: {  	_ =	shalt  }
0x40: {  	_ =	shalt  }
0x41: {  	_ =	shalt  }
0x42: {  	_ =	shalt  }
0x43: {  	_ =	shalt  }
0x44: {  	_ =	shalt  }
0x45: {  	_ =	shalt  }
0x46: {  	_ =	shalt  }
0x47: {  	_ =	shalt  }
0x48: {  	_ =	shalt  }
0x49: {  	_ =	shalt  }
0x4a: {  	_ =	shalt  }
0x4b: {  	_ =	shalt  }
0x4c: {  	_ =	shalt  }
0x4d: {  	_ =	shalt  }
0x4e: {  	_ =	shalt  }
0x4f: {  	_ =	shalt  }
0x50: {  	_ =	shalt  }
0x51: {  	_ =	shalt  }
0x52: {  	_ =	shalt  }
0x53: {  	_ =	shalt  }
0x54: {  	_ =	shalt  }
0x55: {  	_ =	shalt  }
0x56: {  	_ =	shalt  }
0x57: {  	_ =	shalt  }
0x58: {  	_ =	shalt  }
0x59: {  	_ =	shalt  }
0x5a: {  	_ =	shalt  }
0x5b: {  	_ =	shalt  }
0x5c: {  	_ =	shalt  }
0x5d: {  	_ =	shalt  }
0x5e: {  	_ =	shalt  }
0x5f: {  	_ =	shalt  }
0x60: {  	_ =	shalt  }
0x61: {  	_ =	shalt  }
0x62: {  	_ =	shalt  }
0x63: {  	_ =	shalt  }
0x64: {  	_ =	shalt  }
0x65: {  	_ =	shalt  }
0x66: {  	_ =	shalt  }
0x67: {  	_ =	shalt  }
0x68: {  	_ =	shalt  }
0x69: {  	_ =	shalt  }
0x6a: {  	_ =	shalt  }
0x6b: {  	_ =	shalt  }
0x6c: {  	_ =	shalt  }
0x6d: {  	_ =	shalt  }
0x6e: {  	_ =	shalt  }
0x6f: {  	_ =	shalt  }
0x70: {  	_ =	shalt  }
0x71: {  	_ =	shalt  }
0x72: {  	_ =	shalt  }
0x73: {  	_ =	shalt  }
0x74: {  	_ =	shalt  }
0x75: {  	_ =	shalt  }
0x76: {  	_ =	shalt  }
0x77: {  	_ =	shalt  }
0x78: {  	_ =	shalt  }
0x79: {  	_ =	shalt  }
0x7a: {  	_ =	shalt  }
0x7b: {  	_ =	shalt  }
0x7c: {  	_ =	shalt  }
0x7d: {  	_ =	shalt  }
0x7e: {  	_ =	shalt  }
0x7f: {  	_ =	shalt  }
0x80: {  	_ =	shalt  }
0x81: {  	_ =	shalt  }
0x82: {  	_ =	shalt  }
0x83: {  	_ =	shalt  }
0x84: {  	_ =	shalt  }
0x85: {  	_ =	shalt  }
0x86: {  	_ =	shalt  }
0x87: {  	_ =	shalt  }
.Lfunc_end0:
.L_simem_size_0:
called_computation_lowered:
.L_overlay_start_0:
0x88: {  	s2 =	sld [smem:$0x3FD9]  }
0x89: {  	s3 =	sld [smem:$0x3FFE];
	_ =	sdelay $0x1  }
0x8a: {  	s1 =	srdreg.scid  }
0x8b: {  	s0 =	sand.u32 $0x1, s1  }
0x8c: {  	s15 =	sshll.u32 s0, $0xA;
	s2 =	sadd.s32 s3, s2  }
0x8d: {  	s2 =	sadd.s32 s2, s15  }
0x8e: {  	[smem:$0x3FC4] =	sst s2  }
0x8f: {  	_ = 	snop  }
0x90: {  	s2 =	sld [smem:$0x3FC9]  }
0x91: {  	s16 =	sld [smem:$0x3FD0]  }
0x92: {  	s4 =	sld [smem:$0x3FC8]  }
0x93: {  	s5 =	sld [smem:$0x3FC7]  }
0x94: {  	s7 =	simm.s32 $0xA;
	s8 =	simm.s32 $0x10;
	s6 =	sld [smem:$0x3FC6]  }
0x95: {  	[smem:s8], [sflag:s7] =	dma.local [hbm:s16], $0x1  }
0x96: {  	_ =	swait.eq [sflag:s7], $0x1  }
0x97: {  	[sflag:s7] =	ssyncset.done $0x0  }
0x98: {  	s17 =	sld [smem:$0x10];
	[sflag:s7] =	ssyncadd.s32 $0xFFFFFFFF  }
0x99: {  	s18 =	sld [smem:$0x11];
	(tm) =	ssettm $0x1  }
0x9a: {  	s19 =	sld [smem:$0x3FFB];
	_ =	sdelay $0x3  }
0x9b: {  	_ =	strace s19  }
0x9c: {  	s8 =	sld [smem:$0x3FFC];
	_ =	sdelay $0x3  }
0x9d: {  	_ =	strace s8  }
0x9e: {  	s8 =	sld [smem:$0x3FFD];
	_ =	sdelay $0x3  }
0x9f: {  	_ =	strace s8  }
0xa0: {  	_ =	strace $0x8FFFFFFF  }
0xa1: {  	s20 =	sld [smem:$0x3FDB];
	_ =	sdelay $0x1  }
0xa2: {  	s9 =	simm.s32 $_scs_section_size  }
0xa3: {  	s10 =	simm.s32 $_size__tile_overlayer_lowered;
	s11 =	simm.s32 $_tile_overlayer_lowered  }
0xa4: {  	s23 =	simm.s32 $0x1BFF;
	s22 =	sshll.u32 s11, $0x1;
	s8 =	sadd.s32 s9, s20  }
0xa5: {  	s12 =	simm.s32 $0x0;
	s21 =	sshll.u32 s10, $0x1;
	s10 =	sadd.s32 s22, s8  }
0xa6: {  	[timem:s12], [sflag:s23] =	dma.local [hbm:s10], s21  }
0xa7: {  	_ =	swait.ge [sflag:s23], s21  }
0xa8: {  	s9 =	ssub.s32 $0x0, s21;
	[sflag:s23] =	ssyncset.done $0x0  }
0xa9: {  	[sflag:s23] =	ssyncadd.s32 s9;
	_ =	sdelay $0x1  }
0xaa: {  	s24 =	simm.s32 $0x1B8B  }
0xab: {  	_ =	swait.ge [sflag:s24], $0x1  }
0xac: {  	[sflag:s24] =	ssyncset.done $0x0  }
0xad: {  	s25 =	simm.s32 $0x1B8E;
	[sflag:s24] =	ssyncadd.s32 $0xFFFFFFFF  }
0xae: {  	s26 =	simm.s32 $execute0_lowered;
	[smem:$0x3FD2] =	sst s25  }
0xaf: {  	s9 =	sshll.u32 s26, $0x1;
	_ =	strace $0x80000046;
	[dreg:$0x1] =	wrdreg $0xFFFFFFFF  }
0xb0: {  	s28 =	simm.s32 $_size_execute0_lowered;
	s8 =	sadd.s32 s8, s9;
	[dreg:$0x0] =	wrdreg $0x0  }
0xb1: {  	s9 =	sshll.u32 s28, $0x1;
	[dreg:$0x2] =	wrdreg s8  }
0xb2: {  	[dreg:$0x3] =	wrdreg s9  }
0xb3: {  	[dreg:$0x4] =	wrdreg $0xC0  }
0xb4: {  	_ =	task [dreg:s12], $0x5FFFF  }
0xb5: {  	[dreg:$0x1] =	wrdreg $0xFFFFFFFF  }
0xb6: {  	[dreg:$0x0] =	wrdreg $0x60  }
0xb7: {  	[dreg:$0x2] =	wrdreg s2  }
0xb8: {  	[dreg:$0x3] =	wrdreg s4  }
0xb9: {  	[dreg:$0x4] =	wrdreg s5  }
0xba: {  	[dreg:$0x5] =	wrdreg s6  }
0xbb: {  	[dreg:$0x6] =	wrdreg s17  }
0xbc: {  	[dreg:$0x7] =	wrdreg s18  }
0xbd: {  	[dreg:$0x8] =	wrdreg $0x9  }
0xbe: {  	_ =	task.clear_ibuf [dreg:s12], $0x9FFFF;
	_ =	strace $0x90000046  }
0xbf: {  	s29 =	simm.s32 $0x9;
	_ =	strace $0x80000048  }
0xc0: {  	_ =	swait.ge [sflag:s29], $0x1  }
0xc1: {  	[sflag:s29] =	ssyncadd.s32 $0xFFFFFFFF  }
0xc2: {  	_ =	strace $0x90000048  }
0xc3: {  	_ =	sfence  }
0xc4: {  	s30 =	sld [smem:$0x0];
	_ =	sdelay $0x2  }
0xc5: {  	s31 =	sshll.u32 s1, $0xD;
	s1 =	sshrl.u32 s1, $0x2  }
0xc6: {  	s3 =	sand.u32 $0x4000, s31;
	s1 =	sadd.s32 s1, s30  }
0xc7: {  	s0 =	sor.u32 s3, s0;
	s1 =	sshll.u32 s1, $0x11  }
0xc8: {  	s0 =	sor.u32 s1, s0  }
0xc9: {  	s0 =	sadd.s32 $0x8F2B, s0  }
0xca: {  	[sflag:s0] =	ssyncadd.remote.s32 $0x1  }
0xcb: {  	_ =	sfence.sel $0xFFFF  }
0xcc: {  	[dreg:$0x0] =	wrdreg $0xFFFFFFFF;
	(pc) =	sbr.abs _section_cstart, $3  }
0xcd: {  	[dreg:$0x1] =	wrdreg $0xFFFFFFFF  }
0xce: {  	_ =	task.clear_ibuf [dreg:s12], $0x2FFFF;
	_ =	strace $0x9FFFFFFF  }
0xcf: {  	(tm) =	ssettm $0x7FFFFFFF  }
tec
execute0_lowered:
.L_overlay_start_1:
0x0: {  	(tag) =	ssettag $0x1  }
0x1: {  	s5 =	rddreg [dreg:$0x0]  }
0x2: {  	s6 =	rddreg [dreg:$0x1]  }
0x3: {  	s1 =	rddreg [dreg:$0x2]  }
0x4: {  	s2 =	rddreg [dreg:$0x3]  }
0x5: {  	s7 =	rddreg [dreg:$0x4];
	s3 =	srdreg.scid  }
0x6: {  	s0 =	stileid.u32;
	s8 =	rddreg [dreg:$0x5]  }
0x7: {  	s4 =	simm.s32 $0x0;
	s14 =	simm.s32 $0x1;
	s15 =	simm.s32 $0x0  }
0x8: {  	s9 =	sand.u32 $0x1, s3;
	s10 =	sshll.u32 s0, $0x1;
	s11 =	sshll.u32 s0, $0x7  }
0x9: {  	[smem:$0x7FF] =	sst s4;
	s10 =	sor.u32 s9, s10;
	s9 =	ssub.s32 $0x2, s9  }
0xa: {  	_ =	strace $0x80000047;
	s12 =	sshll.u32 s10, $0x4;
	s13 =	sshrl.u32 s9, $0x1  }
0xb: {  	s10 =	sshll.u32 s10, $0xD;
	s11 =	sor.u32 s11, s12;
	s9 =	ssub.s32 s9, s13  }
0xc: {  	s7 =	sadd.s32 s7, s10;
	s8 =	sadd.s32 s8, s10;
	s11 =	sand.u32 $0x670, s11  }
0xd: {  	s12 =	simm.s32 $0x2;
	s9 =	smax.u32 s9, $0x1;
	s31 =	sadd.s32 s5, s11  }
0xe: {  	s6 =	sadd.s32 s6, s11;
	s11 =	simm.s32 $0x400;
	[dreg:$0x7] =	wrdreg s31  }
.LBB2_1:
0xf: {  	s0 =	rddreg [dreg:$0x7];
	s3 =	simm.s32 $0x80  }
0x10: {  	[tilespmem:s4], [sflag:$0x2] =	stream.strided.gather [hbm4b:s0+s3], $0x200, s11, s3, $0x38;
	[tilespmem:$0x10400] =	vst v63  }
0x11: {  	_ =	swait.ge [sflag:s12], $0x200  }
0x12: {  	[sflag:s12] =	ssyncset.done $0x0  }
0x13: {  	s31 =	simm.s32 $0x200;
	[sflag:s12] =	ssyncadd.s32 $0xFFFFFE00  }
0x14: {  	[tilespmem:s31], [sflag:$0x2] =	stream.strided.gather [hbm4b:s6+s3], $0x200, s11, s3, $0x38;
	[tilespmem:$0x10400] =	vst v63  }
0x15: {  	_ =	swait.ge [sflag:s12], $0x200  }
0x16: {  	[sflag:s12] =	ssyncset.done $0x0  }
0x17: {  	[sflag:s12] =	ssyncadd.s32 $0xFFFFFE00  }
0x18: {  	v0 =	vld [tilespmem:s4+$0x0];
	_ =	sdelay $0x4  }
0x19: {  	v0 =	vshrl.u32 v0, $0x2  }
0x1a: {  	v0 =	vshll.u32 v0, $0x4  }
0x1b: {  	(v2sf) =	vpush v0, $0x0  }
0x1c: {  	(v2sf) =	vpush v0, $0x1  }
0x1d: {  	(v2sf) =	vpush v0, $0x2;
	_ =	sdelay $0x1  }
0x1e: {  	(v2sf) =	vpush v0, $0x4;
	_ =	sdelay $0x1  }
0x1f: {  	(v2sf) =	vpush v0, $0x3  }
0x20: {  	(v2sf) =	vpush v0, $0x5  }
0x21: {  	s17 =	simm.s32 $0x2000;
	s16 =	simm.s32 $0x0;
	s18 =	simm.s32 $0x0;
	(v2sf) =	vpush v0, $0x6  }
.LBB2_2:
0x22: {  	p0 =	sne.s32 s17, $0x3E000  }
0x23: {  	s29 =	sadd.s32 $0x480, s16;
	s22 =	sadd.s32 $0x980, s16;
	s19 =	smov.u32 s17  }
0x24: {  	s17 =	sadd.s32 $0x2000, s17;
	s25 =	sadd.s32 $0x780, s16;
	s20 =	sadd.s32 $0xA00, s16;
	(v2sf) =	vpush v0, $0x7  }
0x25: {  	s28 =	sadd.s32 $0x680, s16;
	s24 =	sadd.s32 $0x800, s16;
	s21 =	sadd.s32 $0xA80, s16  }
0x26: {  	s30 =	sadd.s32 $0x400, s16;
	s31 =	sadd.s32 $0x600, s16;
	(v2sf) =	vpush v0, $0x8  }
0x27: {  	s3 =	sadd.s32 $0x700, s16;
	s18 =	sadd.s32 $0x10, s18  }
0x28: {  	s0 =	sadd.s32 $0x500, s16;
	s23 =	sadd.s32 $0x900, s16;
	s26 =	spop (v2sf);
	(v2sf) =	vpush v0, $0x9  }
0x29: {  	s13 =	sand.u32 $0x1FFFFFF0, s26;
	s26 =	sadd.s32 $0x880, s16;
	s10 =	spop (v2sf)  }
0x2a: {  	s13 =	sadd.s32 s1, s13;
	s10 =	sand.u32 $0x1FFFFFF0, s10;
	s5 =	spop (v2sf);
	(v2sf) =	vpush v0, $0xA  }
0x2b: {  	[tilespmem:s30], [sflag:$0x1] =	stream.linear.gather [hbm4b:s13+s4], $0x80, $0x38;
	[tilespmem:$0x10400] =	vst v63  }
0x2c: {  	s10 =	sadd.s32 s1, s10;
	s13 =	sadd.s32 $0x580, s16;
	s30 =	spop (v2sf);
	(v2sf) =	vpush v0, $0xB  }
0x2d: {  	[tilespmem:s29], [sflag:$0x1] =	stream.linear.gather [hbm4b:s10+s4], $0x80, $0x38;
	[tilespmem:$0x10400] =	vst v63  }
0x2e: {  	s5 =	sand.u32 $0x1FFFFFF0, s5;
	s10 =	sand.u32 $0x1FFFFFF0, s30;
	s29 =	spop (v2sf);
	(v2sf) =	vpush v0, $0xC  }
0x2f: {  	s5 =	sadd.s32 s1, s5;
	s29 =	sand.u32 $0x1FFFFFF0, s29;
	s30 =	spop (v2sf)  }
0x30: {  	[tilespmem:s0], [sflag:$0x1] =	stream.linear.gather [hbm4b:s5+s4], $0x80, $0x38;
	(v2sf) =	vpush v0, $0xD;
	[tilespmem:$0x10400] =	vst v63  }
0x31: {  	s0 =	sadd.s32 s1, s29;
	s5 =	sand.u32 $0x1FFFFFF0, s30;
	s29 =	spop (v2sf)  }
0x32: {  	[tilespmem:s13], [sflag:$0x1] =	stream.linear.gather [hbm4b:s0+s4], $0x80, $0x38;
	(v2sf) =	vpush v0, $0xE;
	[tilespmem:$0x10400] =	vst v63  }
0x33: {  	s0 =	sadd.s32 s1, s10;
	s10 =	sand.u32 $0x1FFFFFF0, s29;
	s13 =	spop (v2sf)  }
0x34: {  	[tilespmem:s31], [sflag:$0x1] =	stream.linear.gather [hbm4b:s0+s4], $0x80, $0x38;
	(v2sf) =	vpush v0, $0xF;
	[tilespmem:$0x10400] =	vst v63  }
0x35: {  	s0 =	sadd.s32 s1, s5;
	s5 =	sand.u32 $0x1FFFFFF0, s13;
	s13 =	spop (v2sf)  }
0x36: {  	[tilespmem:s28], [sflag:$0x1] =	stream.linear.gather [hbm4b:s0+s4], $0x80, $0x38;
	[tilespmem:$0x10400] =	vst v63  }
0x37: {  	s0 =	sadd.s32 s1, s10;
	s10 =	sand.u32 $0x1FFFFFF0, s13;
	s13 =	spop (v2sf)  }
0x38: {  	[tilespmem:s3], [sflag:$0x1] =	stream.linear.gather [hbm4b:s0+s4], $0x80, $0x38;
	[tilespmem:$0x10400] =	vst v63  }
0x39: {  	s0 =	sadd.s32 s1, s5;
	s3 =	sand.u32 $0x1FFFFFF0, s13;
	s5 =	spop (v2sf)  }
0x3a: {  	[tilespmem:s25], [sflag:$0x1] =	stream.linear.gather [hbm4b:s0+s4], $0x80, $0x38;
	[tilespmem:$0x10400] =	vst v63  }
0x3b: {  	s0 =	sadd.s32 s1, s10;
	s5 =	sand.u32 $0x1FFFFFF0, s5;
	s10 =	spop (v2sf)  }
0x3c: {  	[tilespmem:s24], [sflag:$0x1] =	stream.linear.gather [hbm4b:s0+s4], $0x80, $0x38;
	[tilespmem:$0x10400] =	vst v63  }
0x3d: {  	s0 =	sadd.s32 s1, s3;
	s3 =	sand.u32 $0x1FFFFFF0, s10;
	s10 =	spop (v2sf)  }
0x3e: {  	[tilespmem:s26], [sflag:$0x1] =	stream.linear.gather [hbm4b:s0+s4], $0x80, $0x38;
	[tilespmem:$0x10400] =	vst v63  }
0x3f: {  	s0 =	sadd.s32 s1, s5;
	s5 =	sand.u32 $0x1FFFFFF0, s10;
	s10 =	spop (v2sf)  }
0x40: {  	[tilespmem:s23], [sflag:$0x1] =	stream.linear.gather [hbm4b:s0+s4], $0x80, $0x38;
	[tilespmem:$0x10400] =	vst v63  }
0x41: {  	s0 =	sadd.s32 s1, s3;
	s3 =	sand.u32 $0x1FFFFFF0, s10;
	s10 =	spop (v2sf)  }
0x42: {  	[tilespmem:s22], [sflag:$0x1] =	stream.linear.gather [hbm4b:s0+s4], $0x80, $0x38;
	[tilespmem:$0x10400] =	vst v63  }
0x43: {  	s0 =	sadd.s32 s1, s5;
	s5 =	sand.u32 $0x1FFFFFF0, s10;
	s10 =	spop (v2sf)  }
0x44: {  	[tilespmem:s20], [sflag:$0x1] =	stream.linear.gather [hbm4b:s0+s4], $0x80, $0x38;
	[tilespmem:$0x10400] =	vst v63  }
0x45: {  	s0 =	sadd.s32 s1, s3;
	s3 =	sand.u32 $0x1FFFFFF0, s10  }
0x46: {  	[tilespmem:s21], [sflag:$0x1] =	stream.linear.gather [hbm4b:s0+s4], $0x80, $0x38;
	[tilespmem:$0x10400] =	vst v63  }
0x47: {  	s5 =	sadd.s32 s1, s5;
	s0 =	sadd.s32 $0xB00, s16  }
0x48: {  	[tilespmem:s0], [sflag:$0x1] =	stream.linear.gather [hbm4b:s5+s4], $0x80, $0x38;
	[tilespmem:$0x10400] =	vst v63  }
0x49: {  	s3 =	sadd.s32 s1, s3;
	s0 =	sadd.s32 $0xB80, s16  }
0x4a: {  	[tilespmem:s0], [sflag:$0x1] =	stream.linear.gather [hbm4b:s3+s4], $0x80, $0x38;
	[tilespmem:$0x10400] =	vst v63  }
0x4b: {  	v0 =	vld [tilespmem:s18+$0x0];
	_ =	sdelay $0x4  }
0x4c: {  	v0 =	vshrl.u32 v0, $0x2  }
0x4d: {  	v0 =	vshll.u32 v0, $0x4  }
0x4e: {  	(v2sf) =	vpush v0, $0x0  }
0x4f: {  	(v2sf) =	vpush v0, $0x1  }
0x50: {  	(v2sf) =	vpush v0, $0x2;
	_ =	sdelay $0x1  }
0x51: {  	(v2sf) =	vpush v0, $0x4  }
.Ltmp0:
0x52: {  	(pc) =	sbr.rel @p0 .LBB2_2-.Ltmp0, $3  }
0x53: {  	(v2sf) =	vpush v0, $0x3  }
0x54: {  	(v2sf) =	vpush v0, $0x5;
	_ =	sdelay $0x1  }
0x55: {  	s16 =	sshra.s32 s19, $0x2;
	(v2sf) =	vpush v0, $0x6  }
0x56: {  	_ =	sdelay $0x1  }
0x57: {  	s0 =	sadd.s32 $0x480, s16;
	s19 =	sadd.s32 $0x980, s16  }
0x58: {  	s3 =	sadd.s32 $0x780, s16;
	s17 =	sadd.s32 $0xA00, s16;
	(v2sf) =	vpush v0, $0x7;
	s5 =	sadd.s32 $0x680, s16  }
0x59: {  	s10 =	sadd.s32 $0x800, s16;
	s18 =	sadd.s32 $0xA80, s16;
	s13 =	sadd.s32 $0x400, s16  }
0x5a: {  	s20 =	sadd.s32 $0x600, s16;
	s21 =	sadd.s32 $0x700, s16;
	(v2sf) =	vpush v0, $0x8;
	s22 =	spop (v2sf)  }
0x5b: {  	s23 =	sadd.s32 $0x500, s16;
	s22 =	sand.u32 $0x1FFFFFF0, s22;
	s24 =	spop (v2sf)  }
0x5c: {  	(v2sf) =	vpush v0, $0x9;
	s22 =	sadd.s32 s1, s22;
	s24 =	sand.u32 $0x1FFFFFF0, s24;
	s25 =	spop (v2sf)  }
0x5d: {  	[tilespmem:s13], [sflag:$0x1] =	stream.linear.gather [hbm4b:s22+s4], $0x80, $0x38;
	[tilespmem:$0x10400] =	vst v63  }
0x5e: {  	s26 =	sadd.s32 $0x580, s16;
	(v2sf) =	vpush v0, $0xA;
	s30 =	sadd.s32 s1, s24;
	s31 =	spop (v2sf)  }
0x5f: {  	[tilespmem:s0], [sflag:$0x1] =	stream.linear.gather [hbm4b:s30+s4], $0x80, $0x38;
	[tilespmem:$0x10400] =	vst v63  }
0x60: {  	s13 =	sadd.s32 $0x900, s16;
	s28 =	sand.u32 $0x1FFFFFF0, s25;
	(v2sf) =	vpush v0, $0xB;
	s29 =	spop (v2sf)  }
0x61: {  	s22 =	sadd.s32 s1, s28;
	s0 =	sadd.s32 $0x880, s16;
	s25 =	sand.u32 $0x1FFFFFF0, s29  }
0x62: {  	(v2sf) =	vpush v0, $0xC;
	[tilespmem:s23], [sflag:$0x1] =	stream.linear.gather [hbm4b:s22+s4], $0x80, $0x38;
	[tilespmem:$0x10400] =	vst v63  }
0x63: {  	s30 =	sand.u32 $0x1FFFFFF0, s31;
	s31 =	spop (v2sf);
	s28 =	sadd.s32 s1, s25  }
0x64: {  	(v2sf) =	vpush v0, $0xD;
	[tilespmem:s26], [sflag:$0x1] =	stream.linear.gather [hbm4b:s28+s4], $0x80, $0x38;
	[tilespmem:$0x10400] =	vst v63  }
0x65: {  	s22 =	sadd.s32 s1, s30;
	s23 =	sand.u32 $0x1FFFFFF0, s31;
	s29 =	spop (v2sf)  }
0x66: {  	(v2sf) =	vpush v0, $0xE;
	[tilespmem:s20], [sflag:$0x1] =	stream.linear.gather [hbm4b:s22+s4], $0x80, $0x38;
	[tilespmem:$0x10400] =	vst v63  }
0x67: {  	s23 =	sadd.s32 s1, s23;
	s30 =	sand.u32 $0x1FFFFFF0, s29;
	s31 =	spop (v2sf)  }
0x68: {  	(v2sf) =	vpush v0, $0xF;
	[tilespmem:s5], [sflag:$0x1] =	stream.linear.gather [hbm4b:s23+s4], $0x80, $0x38;
	[tilespmem:$0x10400] =	vst v63  }
0x69: {  	s24 =	sand.u32 $0x1FFFFFF0, s31;
	s25 =	spop (v2sf);
	s20 =	sadd.s32 s1, s30  }
0x6a: {  	[tilespmem:s21], [sflag:$0x1] =	stream.linear.gather [hbm4b:s20+s4], $0x80, $0x38;
	[tilespmem:$0x10400] =	vst v63  }
0x6b: {  	s26 =	sand.u32 $0x1FFFFFF0, s25;
	s5 =	sadd.s32 s1, s24;
	s28 =	spop (v2sf)  }
0x6c: {  	[tilespmem:s3], [sflag:$0x1] =	stream.linear.gather [hbm4b:s5+s4], $0x80, $0x38;
	[tilespmem:$0x10400] =	vst v63  }
0x6d: {  	s20 =	sadd.s32 s1, s26;
	s29 =	sand.u32 $0x1FFFFFF0, s28;
	s30 =	spop (v2sf)  }
0x6e: {  	[tilespmem:s10], [sflag:$0x1] =	stream.linear.gather [hbm4b:s20+s4], $0x80, $0x38;
	[tilespmem:$0x10400] =	vst v63  }
0x6f: {  	s5 =	sand.u32 $0x1FFFFFF0, s30;
	s3 =	sadd.s32 s1, s29;
	s31 =	spop (v2sf)  }
0x70: {  	[tilespmem:s0], [sflag:$0x1] =	stream.linear.gather [hbm4b:s3+s4], $0x80, $0x38;
	[tilespmem:$0x10400] =	vst v63  }
0x71: {  	s5 =	sadd.s32 s1, s5;
	s20 =	sand.u32 $0x1FFFFFF0, s31;
	s21 =	spop (v2sf)  }
0x72: {  	[tilespmem:s13], [sflag:$0x1] =	stream.linear.gather [hbm4b:s5+s4], $0x80, $0x38;
	[tilespmem:$0x10400] =	vst v63  }
0x73: {  	s0 =	sadd.s32 s1, s20;
	s3 =	sand.u32 $0x1FFFFFF0, s21;
	s22 =	spop (v2sf)  }
0x74: {  	[tilespmem:s19], [sflag:$0x1] =	stream.linear.gather [hbm4b:s0+s4], $0x80, $0x38;
	[tilespmem:$0x10400] =	vst v63  }
0x75: {  	s23 =	sand.u32 $0x1FFFFFF0, s22;
	s3 =	sadd.s32 s1, s3;
	s24 =	spop (v2sf)  }
0x76: {  	[tilespmem:s17], [sflag:$0x1] =	stream.linear.gather [hbm4b:s3+s4], $0x80, $0x38;
	[tilespmem:$0x10400] =	vst v63  }
0x77: {  	s25 =	sand.u32 $0x1FFFFFF0, s24;
	s26 =	spop (v2sf);
	s0 =	sadd.s32 s1, s23  }
0x78: {  	[tilespmem:s18], [sflag:$0x1] =	stream.linear.gather [hbm4b:s0+s4], $0x80, $0x38;
	[tilespmem:$0x10400] =	vst v63  }
0x79: {  	s29 =	sadd.s32 $0xB00, s16;
	s28 =	sand.u32 $0x1FFFFFF0, s26;
	s3 =	sadd.s32 s1, s25  }
0x7a: {  	[tilespmem:s29], [sflag:$0x1] =	stream.linear.gather [hbm4b:s3+s4], $0x80, $0x38;
	[tilespmem:$0x10400] =	vst v63  }
0x7b: {  	s30 =	sadd.s32 $0xB80, s16;
	s0 =	sadd.s32 s1, s28  }
0x7c: {  	[tilespmem:s30], [sflag:$0x1] =	stream.linear.gather [hbm4b:s0+s4], $0x80, $0x38;
	[tilespmem:$0x10400] =	vst v63  }
0x7d: {  	_ =	swait.ge [sflag:s14], $0x10000  }
0x7e: {  	[sflag:s14] =	ssyncset.done $0x0  }
0x7f: {  	s31 =	simm.s32 $0x0;
	[sflag:s14] =	ssyncadd.s32 $0xFFFF0000  }
0x80: {  	[hbm4b:s7+s31] =	stream.linear.scatter [tilespmem:s11], [sflag:$0x2], $0x10000, $0x38;
	[tilespmem:$0x10400] =	vst v63  }
0x81: {  	_ =	swait.ge [sflag:s12], $0x10000  }
0x82: {  	[sflag:s12] =	ssyncset.done $0x0  }
0x83: {  	s17 =	simm.s32 $0x200;
	[sflag:s12] =	ssyncadd.s32 $0xFFFF0000  }
0x84: {  	v0 =	vld [tilespmem:s17+$0x0];
	_ =	sdelay $0x4  }
0x85: {  	v0 =	vshrl.u32 v0, $0x2  }
0x86: {  	v0 =	vshll.u32 v0, $0x4  }
0x87: {  	(v2sf) =	vpush v0, $0x0  }
0x88: {  	(v2sf) =	vpush v0, $0x1  }
0x89: {  	(v2sf) =	vpush v0, $0x2;
	_ =	sdelay $0x1  }
0x8a: {  	(v2sf) =	vpush v0, $0x4;
	_ =	sdelay $0x1  }
0x8b: {  	(v2sf) =	vpush v0, $0x3  }
0x8c: {  	(v2sf) =	vpush v0, $0x5  }
0x8d: {  	s16 =	simm.s32 $0x0;
	s18 =	simm.s32 $0x2000;
	(v2sf) =	vpush v0, $0x6  }
.LBB2_4:
0x8e: {  	p0 =	sne.s32 s18, $0x3E000  }
0x8f: {  	s0 =	sadd.s32 $0x480, s16;
	s22 =	sadd.s32 $0x980, s16;
	s19 =	smov.u32 s18  }
0x90: {  	s18 =	sadd.s32 $0x2000, s18;
	s25 =	sadd.s32 $0x780, s16;
	s20 =	sadd.s32 $0xA00, s16;
	(v2sf) =	vpush v0, $0x7  }
0x91: {  	s28 =	sadd.s32 $0x680, s16;
	s24 =	sadd.s32 $0x800, s16;
	s21 =	sadd.s32 $0xA80, s16  }
0x92: {  	s3 =	sadd.s32 $0x400, s16;
	s5 =	sadd.s32 $0x600, s16;
	(v2sf) =	vpush v0, $0x8  }
0x93: {  	s10 =	sadd.s32 $0x700, s16;
	s17 =	sadd.s32 $0x10, s17  }
0x94: {  	s13 =	sadd.s32 $0x500, s16;
	s23 =	sadd.s32 $0x900, s16;
	s26 =	spop (v2sf);
	(v2sf) =	vpush v0, $0x9  }
0x95: {  	s29 =	sand.u32 $0x1FFFFFF0, s26;
	s26 =	sadd.s32 $0x880, s16;
	s30 =	spop (v2sf)  }
0x96: {  	s29 =	sadd.s32 s2, s29;
	s30 =	sand.u32 $0x1FFFFFF0, s30;
	s31 =	spop (v2sf);
	(v2sf) =	vpush v0, $0xA  }
0x97: {  	[tilespmem:s3], [sflag:$0x1] =	stream.linear.gather [hbm4b:s29+s4], $0x80, $0x38;
	[tilespmem:$0x10400] =	vst v63  }
0x98: {  	s3 =	sadd.s32 s2, s30;
	s29 =	sadd.s32 $0x580, s16;
	s30 =	spop (v2sf);
	(v2sf) =	vpush v0, $0xB  }
0x99: {  	[tilespmem:s0], [sflag:$0x1] =	stream.linear.gather [hbm4b:s3+s4], $0x80, $0x38;
	[tilespmem:$0x10400] =	vst v63  }
0x9a: {  	s0 =	sand.u32 $0x1FFFFFF0, s31;
	s3 =	sand.u32 $0x1FFFFFF0, s30;
	s30 =	spop (v2sf);
	(v2sf) =	vpush v0, $0xC  }
0x9b: {  	s0 =	sadd.s32 s2, s0;
	s30 =	sand.u32 $0x1FFFFFF0, s30;
	s31 =	spop (v2sf)  }
0x9c: {  	[tilespmem:s13], [sflag:$0x1] =	stream.linear.gather [hbm4b:s0+s4], $0x80, $0x38;
	(v2sf) =	vpush v0, $0xD;
	[tilespmem:$0x10400] =	vst v63  }
0x9d: {  	s0 =	sadd.s32 s2, s30;
	s13 =	sand.u32 $0x1FFFFFF0, s31;
	s30 =	spop (v2sf)  }
0x9e: {  	[tilespmem:s29], [sflag:$0x1] =	stream.linear.gather [hbm4b:s0+s4], $0x80, $0x38;
	(v2sf) =	vpush v0, $0xE;
	[tilespmem:$0x10400] =	vst v63  }
0x9f: {  	s0 =	sadd.s32 s2, s3;
	s3 =	sand.u32 $0x1FFFFFF0, s30;
	s29 =	spop (v2sf)  }
0xa0: {  	[tilespmem:s5], [sflag:$0x1] =	stream.linear.gather [hbm4b:s0+s4], $0x80, $0x38;
	(v2sf) =	vpush v0, $0xF;
	[tilespmem:$0x10400] =	vst v63  }
0xa1: {  	s0 =	sadd.s32 s2, s13;
	s5 =	sand.u32 $0x1FFFFFF0, s29;
	s13 =	spop (v2sf)  }
0xa2: {  	[tilespmem:s28], [sflag:$0x1] =	stream.linear.gather [hbm4b:s0+s4], $0x80, $0x38;
	[tilespmem:$0x10400] =	vst v63  }
0xa3: {  	s0 =	sadd.s32 s2, s3;
	s3 =	sand.u32 $0x1FFFFFF0, s13;
	s13 =	spop (v2sf)  }
0xa4: {  	[tilespmem:s10], [sflag:$0x1] =	stream.linear.gather [hbm4b:s0+s4], $0x80, $0x38;
	[tilespmem:$0x10400] =	vst v63  }
0xa5: {  	s0 =	sadd.s32 s2, s5;
	s5 =	sand.u32 $0x1FFFFFF0, s13;
	s10 =	spop (v2sf)  }
0xa6: {  	[tilespmem:s25], [sflag:$0x1] =	stream.linear.gather [hbm4b:s0+s4], $0x80, $0x38;
	[tilespmem:$0x10400] =	vst v63  }
0xa7: {  	s0 =	sadd.s32 s2, s3;
	s3 =	sand.u32 $0x1FFFFFF0, s10;
	s10 =	spop (v2sf)  }
0xa8: {  	[tilespmem:s24], [sflag:$0x1] =	stream.linear.gather [hbm4b:s0+s4], $0x80, $0x38;
	[tilespmem:$0x10400] =	vst v63  }
0xa9: {  	s0 =	sadd.s32 s2, s5;
	s5 =	sand.u32 $0x1FFFFFF0, s10;
	s10 =	spop (v2sf)  }
0xaa: {  	[tilespmem:s26], [sflag:$0x1] =	stream.linear.gather [hbm4b:s0+s4], $0x80, $0x38;
	[tilespmem:$0x10400] =	vst v63  }
0xab: {  	s0 =	sadd.s32 s2, s3;
	s3 =	sand.u32 $0x1FFFFFF0, s10;
	s10 =	spop (v2sf)  }
0xac: {  	[tilespmem:s23], [sflag:$0x1] =	stream.linear.gather [hbm4b:s0+s4], $0x80, $0x38;
	[tilespmem:$0x10400] =	vst v63  }
0xad: {  	s0 =	sadd.s32 s2, s5;
	s5 =	sand.u32 $0x1FFFFFF0, s10;
	s10 =	spop (v2sf)  }
0xae: {  	[tilespmem:s22], [sflag:$0x1] =	stream.linear.gather [hbm4b:s0+s4], $0x80, $0x38;
	[tilespmem:$0x10400] =	vst v63  }
0xaf: {  	s0 =	sadd.s32 s2, s3;
	s3 =	sand.u32 $0x1FFFFFF0, s10;
	s10 =	spop (v2sf)  }
0xb0: {  	[tilespmem:s20], [sflag:$0x1] =	stream.linear.gather [hbm4b:s0+s4], $0x80, $0x38;
	[tilespmem:$0x10400] =	vst v63  }
0xb1: {  	s0 =	sadd.s32 s2, s5;
	s5 =	sand.u32 $0x1FFFFFF0, s10  }
0xb2: {  	[tilespmem:s21], [sflag:$0x1] =	stream.linear.gather [hbm4b:s0+s4], $0x80, $0x38;
	[tilespmem:$0x10400] =	vst v63  }
0xb3: {  	s3 =	sadd.s32 s2, s3;
	s0 =	sadd.s32 $0xB00, s16  }
0xb4: {  	[tilespmem:s0], [sflag:$0x1] =	stream.linear.gather [hbm4b:s3+s4], $0x80, $0x38;
	[tilespmem:$0x10400] =	vst v63  }
0xb5: {  	s0 =	sadd.s32 $0xB80, s16;
	s3 =	sadd.s32 s2, s5  }
0xb6: {  	[tilespmem:s0], [sflag:$0x1] =	stream.linear.gather [hbm4b:s3+s4], $0x80, $0x38;
	[tilespmem:$0x10400] =	vst v63  }
0xb7: {  	v0 =	vld [tilespmem:s17+$0x0];
	_ =	sdelay $0x4  }
0xb8: {  	v0 =	vshrl.u32 v0, $0x2  }
0xb9: {  	v0 =	vshll.u32 v0, $0x4  }
0xba: {  	(v2sf) =	vpush v0, $0x0  }
0xbb: {  	(v2sf) =	vpush v0, $0x1  }
0xbc: {  	(v2sf) =	vpush v0, $0x2;
	_ =	sdelay $0x1  }
0xbd: {  	(v2sf) =	vpush v0, $0x4  }
.Ltmp1:
0xbe: {  	(pc) =	sbr.rel @p0 .LBB2_4-.Ltmp1, $3  }
0xbf: {  	(v2sf) =	vpush v0, $0x3  }
0xc0: {  	(v2sf) =	vpush v0, $0x5;
	_ =	sdelay $0x1  }
0xc1: {  	s16 =	sshra.s32 s19, $0x2;
	(v2sf) =	vpush v0, $0x6  }
0xc2: {  	_ =	sdelay $0x1  }
0xc3: {  	s0 =	sadd.s32 $0x480, s16;
	s19 =	sadd.s32 $0x980, s16  }
0xc4: {  	s3 =	sadd.s32 $0x780, s16;
	s17 =	sadd.s32 $0xA00, s16;
	(v2sf) =	vpush v0, $0x7;
	s5 =	sadd.s32 $0x680, s16  }
0xc5: {  	s10 =	sadd.s32 $0x800, s16;
	s18 =	sadd.s32 $0xA80, s16;
	s13 =	sadd.s32 $0x400, s16  }
0xc6: {  	s20 =	sadd.s32 $0x600, s16;
	s21 =	sadd.s32 $0x700, s16;
	(v2sf) =	vpush v0, $0x8;
	s22 =	spop (v2sf)  }
0xc7: {  	s23 =	sadd.s32 $0x500, s16;
	s22 =	sand.u32 $0x1FFFFFF0, s22;
	s24 =	spop (v2sf)  }
0xc8: {  	(v2sf) =	vpush v0, $0x9;
	s22 =	sadd.s32 s2, s22;
	s24 =	sand.u32 $0x1FFFFFF0, s24;
	s25 =	spop (v2sf)  }
0xc9: {  	[tilespmem:s13], [sflag:$0x1] =	stream.linear.gather [hbm4b:s22+s4], $0x80, $0x38;
	[tilespmem:$0x10400] =	vst v63  }
0xca: {  	(v2sf) =	vpush v0, $0xA;
	s26 =	sadd.s32 s2, s24;
	s29 =	sand.u32 $0x1FFFFFF0, s25;
	s28 =	spop (v2sf)  }
0xcb: {  	[tilespmem:s0], [sflag:$0x1] =	stream.linear.gather [hbm4b:s26+s4], $0x80, $0x38;
	[tilespmem:$0x10400] =	vst v63  }
0xcc: {  	s13 =	sadd.s32 $0x900, s16;
	(v2sf) =	vpush v0, $0xB;
	s22 =	sadd.s32 s2, s29;
	s30 =	spop (v2sf)  }
0xcd: {  	s0 =	sadd.s32 $0x880, s16;
	s26 =	sadd.s32 $0x580, s16;
	s25 =	sand.u32 $0x1FFFFFF0, s30  }
0xce: {  	(v2sf) =	vpush v0, $0xC;
	[tilespmem:s23], [sflag:$0x1] =	stream.linear.gather [hbm4b:s22+s4], $0x80, $0x38;
	[tilespmem:$0x10400] =	vst v63  }
0xcf: {  	s31 =	sand.u32 $0x1FFFFFF0, s28;
	s28 =	spop (v2sf);
	s29 =	sadd.s32 s2, s25  }
0xd0: {  	(v2sf) =	vpush v0, $0xD;
	[tilespmem:s26], [sflag:$0x1] =	stream.linear.gather [hbm4b:s29+s4], $0x80, $0x38;
	[tilespmem:$0x10400] =	vst v63  }
0xd1: {  	s22 =	sadd.s32 s2, s31;
	s23 =	sand.u32 $0x1FFFFFF0, s28;
	s30 =	spop (v2sf)  }
0xd2: {  	(v2sf) =	vpush v0, $0xE;
	[tilespmem:s20], [sflag:$0x1] =	stream.linear.gather [hbm4b:s22+s4], $0x80, $0x38;
	[tilespmem:$0x10400] =	vst v63  }
0xd3: {  	s23 =	sadd.s32 s2, s23;
	s31 =	sand.u32 $0x1FFFFFF0, s30;
	s24 =	spop (v2sf)  }
0xd4: {  	(v2sf) =	vpush v0, $0xF;
	[tilespmem:s5], [sflag:$0x1] =	stream.linear.gather [hbm4b:s23+s4], $0x80, $0x38;
	[tilespmem:$0x10400] =	vst v63  }
0xd5: {  	s25 =	sand.u32 $0x1FFFFFF0, s24;
	s26 =	spop (v2sf);
	s20 =	sadd.s32 s2, s31  }
0xd6: {  	[tilespmem:s21], [sflag:$0x1] =	stream.linear.gather [hbm4b:s20+s4], $0x80, $0x38;
	[tilespmem:$0x10400] =	vst v63  }
0xd7: {  	s28 =	sand.u32 $0x1FFFFFF0, s26;
	s5 =	sadd.s32 s2, s25;
	s29 =	spop (v2sf)  }
0xd8: {  	[tilespmem:s3], [sflag:$0x1] =	stream.linear.gather [hbm4b:s5+s4], $0x80, $0x38;
	[tilespmem:$0x10400] =	vst v63  }
0xd9: {  	s20 =	sadd.s32 s2, s28;
	s30 =	sand.u32 $0x1FFFFFF0, s29;
	s31 =	spop (v2sf)  }
0xda: {  	[tilespmem:s10], [sflag:$0x1] =	stream.linear.gather [hbm4b:s20+s4], $0x80, $0x38;
	[tilespmem:$0x10400] =	vst v63  }
0xdb: {  	s5 =	sand.u32 $0x1FFFFFF0, s31;
	s3 =	sadd.s32 s2, s30;
	s20 =	spop (v2sf)  }
0xdc: {  	[tilespmem:s0], [sflag:$0x1] =	stream.linear.gather [hbm4b:s3+s4], $0x80, $0x38;
	[tilespmem:$0x10400] =	vst v63  }
0xdd: {  	s5 =	sadd.s32 s2, s5;
	s21 =	sand.u32 $0x1FFFFFF0, s20;
	s22 =	spop (v2sf)  }
0xde: {  	[tilespmem:s13], [sflag:$0x1] =	stream.linear.gather [hbm4b:s5+s4], $0x80, $0x38;
	[tilespmem:$0x10400] =	vst v63  }
0xdf: {  	s0 =	sadd.s32 s2, s21;
	s3 =	sand.u32 $0x1FFFFFF0, s22;
	s23 =	spop (v2sf)  }
0xe0: {  	[tilespmem:s19], [sflag:$0x1] =	stream.linear.gather [hbm4b:s0+s4], $0x80, $0x38;
	[tilespmem:$0x10400] =	vst v63  }
0xe1: {  	s24 =	sand.u32 $0x1FFFFFF0, s23;
	s3 =	sadd.s32 s2, s3;
	s25 =	spop (v2sf)  }
0xe2: {  	[tilespmem:s17], [sflag:$0x1] =	stream.linear.gather [hbm4b:s3+s4], $0x80, $0x38;
	[tilespmem:$0x10400] =	vst v63  }
0xe3: {  	s26 =	sand.u32 $0x1FFFFFF0, s25;
	s28 =	spop (v2sf);
	s0 =	sadd.s32 s2, s24  }
0xe4: {  	[tilespmem:s18], [sflag:$0x1] =	stream.linear.gather [hbm4b:s0+s4], $0x80, $0x38;
	[tilespmem:$0x10400] =	vst v63  }
0xe5: {  	s30 =	sadd.s32 $0xB00, s16;
	s29 =	sand.u32 $0x1FFFFFF0, s28;
	s3 =	sadd.s32 s2, s26  }
0xe6: {  	[tilespmem:s30], [sflag:$0x1] =	stream.linear.gather [hbm4b:s3+s4], $0x80, $0x38;
	[tilespmem:$0x10400] =	vst v63  }
0xe7: {  	s31 =	sadd.s32 $0xB80, s16;
	s0 =	sadd.s32 s2, s29  }
0xe8: {  	[tilespmem:s31], [sflag:$0x1] =	stream.linear.gather [hbm4b:s0+s4], $0x80, $0x38;
	[tilespmem:$0x10400] =	vst v63  }
0xe9: {  	s15 =	sadd.s32 $0x1, s15;
	_ =	swait.ge [sflag:s14], $0x10000  }
0xea: {  	p0 =	sne.s32 s15, s9;
	[sflag:s14] =	ssyncset.done $0x0  }
.Ltmp2:
0xeb: {  	[sflag:s14] =	ssyncadd.s32 $0xFFFF0000;
	(pc) =	sbr.rel @p0 .LBB2_1-.Ltmp2, $4  }
0xec: {  	[hbm4b:s8+s4] =	stream.linear.scatter [tilespmem:s11], [sflag:$0x2], $0x10000, $0x38;
	[tilespmem:$0x10400] =	vst v63  }
0xed: {  	_ =	swait.ge [sflag:s12], $0x10000  }
0xee: {  	[sflag:s12] =	ssyncset.done $0x0  }
0xef: {  	[sflag:s12] =	ssyncadd.s32 $0xFFFF0000  }
0xf0: {  	_ =	sfence.sel $0x180000  }
0xf1: {  	[bflag:$0x0] =	sbarrier.arrive $0xFFFF  }
0xf2: {  	_ =	strace $0x90000047  }
0xf3: {  	s0 =	stileid.u32;
	[bflag:$0x2] =	sbarrier.arrive $0xFFFF  }
0xf4: {  	p0 =	sne.s32 s0, $0x0;
	s0 =	rddreg [dreg:$0x6]  }
0xf5: {  	s0 =	sadd.s32 @!p0 $0x100000, s0  }
0xf6: {  	[sflag:s0] =	ssyncadd.tile.s32 @!p0 $0x1;
	_ =	shalt  }
.Lfunc_end2:
_tile_overlayer_lowered:
.L_overlay_start_2:
0xf7: {  	(tag) =	ssettag $0x2  }
0xf8: {  	s0 =	rddreg [dreg:$0x0];
	s2 =	stileid.u32  }
0xf9: {  	s1 =	rddreg [dreg:$0x1];
	p0 =	sne.s32 s2, $0x0  }
0xfa: {  	s3 =	rddreg [dreg:$0x2];
	[bflag:$0x3] =	sbarrier.arrive $0xFFFF;
	s2 =	simm.s32 @!p0 $0x1C02  }
0xfb: {  	[timem:s3], [sflag:s2] =	dma.local @!p0 [hbm:s0], s1  }
0xfc: {  	s0 =	simm.s32 @!p0 $0x2  }
0xfd: {  	_ =	swait.ge @!p0 [sflag:s0], s1  }
0xfe: {  	s1 =	ssub.s32 @!p0 $0x0, s1;
	[sflag:s0] =	ssyncset.done @!p0 $0x0  }
0xff: {  	[sflag:s0] =	ssyncadd.s32 @!p0 s1  }
0x100: {  	[bflag:$0x3] =	sbarrier.arrive $0xFFFF  }
0x101: {  	_ =	shalt  }

</sc_bundles>
